<compile_context>
chip_gen: v7x
topology: tpu7x:2x2x1
jax: 0.10.2.dev20260603
libtpu: 0.0.44.dev20260713+nightly
codegen_flags: <defaults>
</compile_context>

<pallas_src>
import functools

import jax
import jax.numpy as jnp
import numpy as np
from jax import lax
from jax.experimental import pallas as pl
from jax.experimental.pallas import tpu as pltpu
from jax.experimental.pallas import tpu_sc as plsc

B, L, V, D = 1024, 200, 100000, 128
N = B * L
NC, NS = 2, 16
NW = NC * NS
PER_W = N // NW
C = 128
NCHUNK = PER_W // C
LANES = 16
CROWS = 3 * L
CPAD = 640
CSTAGE = CPAD // NS


def _pos_embed_np():
    pos = np.arange(L, dtype=np.float32)[:, None]
    ids = np.arange(D)
    even = (ids % 2) == 0
    exponent = np.where(even, ids, ids - 1).astype(np.float32) / D
    angle = pos / np.power(10000.0, exponent)[None, :]
    pe = np.where(even[None, :], np.sin(angle), np.cos(angle))
    return pe.astype(np.float32)


_MESH = plsc.VectorSubcoreMesh(
    core_axis_name="c", subcore_axis_name="s", num_cores=NC, num_subcores=NS
)


@functools.partial(
    pl.kernel,
    out_type=jax.ShapeDtypeStruct((N, D), jnp.float32),
    mesh=_MESH,
    scratch_types=[
        pltpu.VMEM((PER_W,), jnp.int32),
        pltpu.VMEM((PER_W,), jnp.int32),
        pltpu.VMEM((2, C, D), jnp.float32),
        pltpu.VMEM((2, C, D), jnp.float32),
        pltpu.VMEM((2, C, D), jnp.float32),
        pltpu.VMEM_SHARED((CPAD, D), jnp.float32),
        pltpu.SemaphoreType.DMA,
        pltpu.SemaphoreType.DMA,
        pltpu.SemaphoreType.DMA,
        pltpu.SemaphoreType.DMA,
        pltpu.SemaphoreType.DMA,
        pltpu.SemaphoreType.DMA,
        pltpu.SemaphoreType.DMA,
    ],
)
def _embed_kernel(tok_tab, combo_tab, tok_idx, seg_lab, out,
                  ti_v, ci_v, bt, bc, bo, combo_sh,
                  sem_t0, sem_t1, sem_c0, sem_c1,
                  sem_o0, sem_o1, sem_o2):
    sem_t = (sem_t0, sem_t1)
    sem_c = (sem_c0, sem_c1)
    sem_o = (sem_o0, sem_o1, sem_o2)
    sid = lax.axis_index("s")
    wid = sid * NC + lax.axis_index("c")
    wbase = wid * PER_W

    pltpu.sync_copy(combo_tab.at[pl.ds(sid * CSTAGE, CSTAGE)],
                    bc.at[0, pl.ds(0, CSTAGE)])
    pltpu.sync_copy(bc.at[0, pl.ds(0, CSTAGE)],
                    combo_sh.at[pl.ds(sid * CSTAGE, CSTAGE)])

    pltpu.sync_copy(tok_idx.at[pl.ds(wbase, PER_W)], ti_v)
    pltpu.sync_copy(seg_lab.at[pl.ds(wbase, PER_W)], ci_v)

    @pl.loop(0, PER_W // LANES)
    def _mkidx(j):
        sl = pl.ds(j * LANES, LANES)
        rows = wbase + j * LANES + lax.iota(jnp.int32, 16)
        ci_v[sl] = ci_v[sl] * L + lax.rem(rows, L)

    def issue(cn, s):
        pltpu.async_copy(tok_tab.at[ti_v.at[pl.ds(cn * C, C)]], bt.at[s], sem_t[s])
        pltpu.async_copy(combo_sh.at[ci_v.at[pl.ds(cn * C, C)]], bc.at[s], sem_c[s])

    def wait_gathers(cn, s):
        pltpu.make_async_copy(tok_tab.at[ti_v.at[pl.ds(cn * C, C)]], bt.at[s], sem_t[s]).wait()
        pltpu.make_async_copy(combo_sh.at[ci_v.at[pl.ds(cn * C, C)]], bc.at[s], sem_c[s]).wait()

    def wait_scatter(cn, s):
        pltpu.make_async_copy(
            bo.at[s], out.at[pl.ds(wbase + cn * C, C)], sem_o[s]).wait()

    plsc.subcore_barrier()

    issue(0, 0)
    issue(1, 1)

    def body(cn, s, do_issue):
        wait_gathers(cn, s)

        @pl.when(cn >= 2)
        def _drain_bo():
            wait_scatter(cn - 2, s)

        bts = bt.at[s]
        bcs = bc.at[s]
        bos = bo.at[s]

        @pl.loop(0, C)
        def _add_row(r):
            for j in range(D // LANES):
                sl = pl.ds(j * LANES, LANES)
                bos[r, sl] = bts[r, sl] + bcs[r, sl]

        if do_issue:
            issue(cn + 2, s)

        pltpu.async_copy(
            bos, out.at[pl.ds(wbase + cn * C, C)], sem_o[s])

    @pl.loop(0, (NCHUNK - 2) // 2)
    def _grp(g):
        for b in range(2):
            cn = 2 * g + b
            body(cn, b, True)

    for cn in (NCHUNK - 2, NCHUNK - 1):
        body(cn, cn % 2, False)

    wait_scatter(NCHUNK - 2, 0)
    wait_scatter(NCHUNK - 1, 1)


def kernel(input_tensor, segment_label, token_table, segm_table):
    pe = jnp.asarray(_pos_embed_np())
    combo_tab = (segm_table[:, None, :] + pe[None, :, :]).reshape(CROWS, D)
    combo_tab = jnp.pad(combo_tab, ((0, CPAD - CROWS), (0, 0)))
    tok_idx = input_tensor.reshape(-1).astype(jnp.int32)
    seg_lab = segment_label.reshape(-1).astype(jnp.int32)
    out = _embed_kernel(token_table, combo_tab, tok_idx, seg_lab)
    return out.reshape(B, L, D)

# --- scband reference (transcript-rebuilt; emitter-appended) ---
"""Pipeline reference for scband-embed-layer-14611478741481 (READ-ONLY COPY).

The authoritative reference and input builder live on the scoring server;
editing this copy changes nothing except your own understanding.
"""

import jax, jax.numpy as jnp
import numpy as np

B, L, V, D = 1024, 200, 100000, 128

def positional_embed(seq_len, d):
    # Faithful to the torch loop: even dims -> sin(pos/10000^(id/d)), odd dims -> cos(pos/10000^((id-1)/d))
    pos = jnp.arange(seq_len, dtype=jnp.float32)[:, None]
    ids = jnp.arange(d)
    even = (ids % 2) == 0
    exponent = jnp.where(even, ids, ids - 1).astype(jnp.float32) / d
    angle = pos / jnp.power(10000.0, exponent)[None, :]
    pe = jnp.where(even[None, :], jnp.sin(angle), jnp.cos(angle))
    return pe  # [L, D]

def setup_inputs(seed: int = 0) -> dict:
    key = jax.random.key(seed)
    k1, k2, k3, k4 = jax.random.split(key, 4)
    input_tensor = jax.random.randint(k1, (B, L), 0, V, dtype=jnp.int64)
    segment_label = jax.random.randint(k2, (B, L), 0, 3, dtype=jnp.int64)
    token_table = jax.random.normal(k3, (V, D), dtype=jnp.float32)
    token_table = token_table.at[0].set(0.0)  # padding_idx=0
    segm_table = jax.random.normal(k4, (3, D), dtype=jnp.float32)
    segm_table = segm_table.at[0].set(0.0)  # padding_idx=0
    return {"input_tensor": input_tensor, "segment_label": segment_label,
            "token_table": token_table, "segm_table": segm_table}

def reference(input_tensor, segment_label, token_table, segm_table):
    d = token_table.shape[1]
    seq_len = input_tensor.shape[1]
    # embedding lookups with padding_idx=0 semantics (row 0 is zero; mask keeps it exact)
    seg_mask = (segment_label != 0).astype(jnp.float32)[..., None]
    tok_mask = (input_tensor != 0).astype(jnp.float32)[..., None]
    segments_embed = jnp.take(segm_table, segment_label, axis=0) * seg_mask
    tokens_embed = jnp.take(token_table, input_tensor, axis=0) * tok_mask
    pos_embed = positional_embed(seq_len, d)  # [L, D], broadcast over batch
    return segments_embed + tokens_embed + pos_embed[None, :, :]

if __name__ == "__main__":
    import jax
    _d = setup_inputs()
    print(jax.jit(kernel)(*tuple(_d.values())))

</pallas_src>

<mosaic_0001>
#map = affine_map<(d0, d1) -> (0, 0)>
#map1 = affine_map<(d0, d1) -> (0)>
module attributes {stable_mosaic.version = 14 : i64} {
  func.func @_embed_kernel(%arg0: i32, %arg1: i32, %arg2: memref<100000x128xf32, #tpu.memory_space<hbm>>, %arg3: memref<640x128xf32, #tpu.memory_space<hbm>>, %arg4: memref<204800xi32, #tpu.memory_space<hbm>>, %arg5: memref<204800xi32, #tpu.memory_space<hbm>>, %arg6: memref<204800x128xf32, #tpu.memory_space<hbm>>, %arg7: memref<6400xi32, #tpu.memory_space<vmem>>, %arg8: memref<6400xi32, #tpu.memory_space<vmem>>, %arg9: memref<2x128x128xf32, #tpu.memory_space<vmem>>, %arg10: memref<2x128x128xf32, #tpu.memory_space<vmem>>, %arg11: memref<2x128x128xf32, #tpu.memory_space<vmem>>, %arg12: memref<640x128xf32, #tpu.memory_space<vmem_shared>>, %arg13: memref<!tpu.dma_semaphore, #tpu.memory_space<semaphore_mem>>, %arg14: memref<!tpu.dma_semaphore, #tpu.memory_space<semaphore_mem>>, %arg15: memref<!tpu.dma_semaphore, #tpu.memory_space<semaphore_mem>>, %arg16: memref<!tpu.dma_semaphore, #tpu.memory_space<semaphore_mem>>, %arg17: memref<!tpu.dma_semaphore, #tpu.memory_space<semaphore_mem>>, %arg18: memref<!tpu.dma_semaphore, #tpu.memory_space<semaphore_mem>>, %arg19: memref<!tpu.dma_semaphore, #tpu.memory_space<semaphore_mem>>) attributes {dimension_semantics = [#tpu.dimension_semantics<core_parallel>, #tpu.dimension_semantics<subcore_parallel>], iteration_bounds = array<i64: 2, 16>, scalar_prefetch = 0 : i64, scratch_operands = 13 : i64, tpu.core_type = #tpu.core_type<sc_vector_subcore>, window_params = [{transform_indices = #map}, {transform_indices = #map}, {transform_indices = #map1}, {transform_indices = #map1}, {transform_indices = #map}]} {
    %mul3A = arith.constant 2 : i32
    %mul3A_0 = arith.muli %arg1, %mul3A : i32
    %add3A = arith.addi %mul3A_0, %arg0 : i32
    %mul3A_1 = arith.constant 6400 : i32
    %mul3A_2 = arith.muli %add3A, %mul3A_1 : i32
    %mul3A_3 = arith.constant 40 : i32
    %mul3A_4 = arith.muli %arg1, %mul3A_3 : i32
    %run_scoped3A = arith.constant 0 : i32
    "tpu.region"() ({
      %run_scoped3A_201 = tpu.sem_alloc : memref<!tpu.dma_semaphore, #tpu.memory_space<semaphore_mem>>
      %dma_start3A_202 = arith.constant 0 : i32
      %dma_start3A_203 = arith.constant 0 : i32
      %dma_start3A_204 = tpu.memref_slice %arg10[%run_scoped3A, %dma_start3A_202, %dma_start3A_203] : memref<2x128x128xf32, #tpu.memory_space<vmem>> -> memref<1x40x128xf32, #tpu.memory_space<vmem>>
      %dma_start3A_205 = tpu.memref_squeeze %dma_start3A_204 : memref<1x40x128xf32, #tpu.memory_space<vmem>> -> memref<40x128xf32, #tpu.memory_space<vmem>>
      %dma_start3A_206 = arith.constant 0 : i32
      %dma_start3A_207 = tpu.memref_slice %arg3[%mul3A_4, %dma_start3A_206] : memref<640x128xf32, #tpu.memory_space<hbm>> -> memref<40x128xf32, #tpu.memory_space<hbm>>
      %dma_start3A_208 = arith.constant 0 : i32
      %dma_start3A_209 = arith.constant 0 : i32
      %dma_start3A_210 = tpu.memref_slice %arg10[%run_scoped3A, %dma_start3A_208, %dma_start3A_209] : memref<2x128x128xf32, #tpu.memory_space<vmem>> -> memref<1x40x128xf32, #tpu.memory_space<vmem>>
      %dma_start3A_211 = tpu.memref_squeeze %dma_start3A_210 : memref<1x40x128xf32, #tpu.memory_space<vmem>> -> memref<40x128xf32, #tpu.memory_space<vmem>>
      %dma_start3A_212 = arith.constant 0 : i32
      %dma_start3A_213 = tpu.memref_slice %arg3[%mul3A_4, %dma_start3A_212] : memref<640x128xf32, #tpu.memory_space<hbm>> -> memref<40x128xf32, #tpu.memory_space<hbm>>
      tpu.enqueue_dma source(%dma_start3A_213 : memref<40x128xf32, #tpu.memory_space<hbm>>) target(%dma_start3A_211 : memref<40x128xf32, #tpu.memory_space<vmem>>) target_semaphore(%run_scoped3A_201 : memref<!tpu.dma_semaphore, #tpu.memory_space<semaphore_mem>>)
      %dma_wait3A_214 = arith.constant 0 : i32
      %dma_wait3A_215 = arith.constant 0 : i32
      %dma_wait3A_216 = tpu.memref_slice %arg10[%run_scoped3A, %dma_wait3A_214, %dma_wait3A_215] : memref<2x128x128xf32, #tpu.memory_space<vmem>> -> memref<1x40x128xf32, #tpu.memory_space<vmem>>
      %dma_wait3A_217 = tpu.memref_squeeze %dma_wait3A_216 : memref<1x40x128xf32, #tpu.memory_space<vmem>> -> memref<40x128xf32, #tpu.memory_space<vmem>>
      %dma_wait3A_218 = arith.constant 0 : i32
      %dma_wait3A_219 = tpu.memref_slice %arg3[%mul3A_4, %dma_wait3A_218] : memref<640x128xf32, #tpu.memory_space<hbm>> -> memref<40x128xf32, #tpu.memory_space<hbm>>
      %dma_wait3A_220 = arith.constant 0 : i32
      %dma_wait3A_221 = arith.constant 0 : i32
      %dma_wait3A_222 = tpu.memref_slice %arg10[%run_scoped3A, %dma_wait3A_220, %dma_wait3A_221] : memref<2x128x128xf32, #tpu.memory_space<vmem>> -> memref<1x40x128xf32, #tpu.memory_space<vmem>>
      %dma_wait3A_223 = tpu.memref_squeeze %dma_wait3A_222 : memref<1x40x128xf32, #tpu.memory_space<vmem>> -> memref<40x128xf32, #tpu.memory_space<vmem>>
      %dma_wait3A_224 = arith.constant 0 : i32
      %dma_wait3A_225 = tpu.memref_slice %arg3[%mul3A_4, %dma_wait3A_224] : memref<640x128xf32, #tpu.memory_space<hbm>> -> memref<40x128xf32, #tpu.memory_space<hbm>>
      tpu.wait_dma2 semaphore(%run_scoped3A_201 : memref<!tpu.dma_semaphore, #tpu.memory_space<semaphore_mem>>) src(%dma_wait3A_225 : memref<40x128xf32, #tpu.memory_space<hbm>>) dst(%dma_wait3A_223 : memref<40x128xf32, #tpu.memory_space<vmem>>)
      tpu.yield
    }) : () -> ()
    %mul3A_5 = arith.constant 40 : i32
    %mul3A_6 = arith.muli %arg1, %mul3A_5 : i32
    %run_scoped3A_7 = arith.constant 0 : i32
    "tpu.region"() ({
      %run_scoped3A_201 = tpu.sem_alloc : memref<!tpu.dma_semaphore, #tpu.memory_space<semaphore_mem>>
      %dma_start3A_202 = arith.constant 0 : i32
      %dma_start3A_203 = arith.constant 0 : i32
      %dma_start3A_204 = tpu.memref_slice %arg10[%run_scoped3A_7, %dma_start3A_202, %dma_start3A_203] : memref<2x128x128xf32, #tpu.memory_space<vmem>> -> memref<1x40x128xf32, #tpu.memory_space<vmem>>
      %dma_start3A_205 = tpu.memref_squeeze %dma_start3A_204 : memref<1x40x128xf32, #tpu.memory_space<vmem>> -> memref<40x128xf32, #tpu.memory_space<vmem>>
      %dma_start3A_206 = arith.constant 0 : i32
      %dma_start3A_207 = tpu.memref_slice %arg12[%mul3A_6, %dma_start3A_206] : memref<640x128xf32, #tpu.memory_space<vmem_shared>> -> memref<40x128xf32, #tpu.memory_space<vmem_shared>>
      %dma_start3A_208 = arith.constant 0 : i32
      %dma_start3A_209 = tpu.memref_slice %arg12[%mul3A_6, %dma_start3A_208] : memref<640x128xf32, #tpu.memory_space<vmem_shared>> -> memref<40x128xf32, #tpu.memory_space<vmem_shared>>
      %dma_start3A_210 = arith.constant 0 : i32
      %dma_start3A_211 = arith.constant 0 : i32
      %dma_start3A_212 = tpu.memref_slice %arg10[%run_scoped3A_7, %dma_start3A_210, %dma_start3A_211] : memref<2x128x128xf32, #tpu.memory_space<vmem>> -> memref<1x40x128xf32, #tpu.memory_space<vmem>>
      %dma_start3A_213 = tpu.memref_squeeze %dma_start3A_212 : memref<1x40x128xf32, #tpu.memory_space<vmem>> -> memref<40x128xf32, #tpu.memory_space<vmem>>
      tpu.enqueue_dma source(%dma_start3A_213 : memref<40x128xf32, #tpu.memory_space<vmem>>) target(%dma_start3A_209 : memref<40x128xf32, #tpu.memory_space<vmem_shared>>) target_semaphore(%run_scoped3A_201 : memref<!tpu.dma_semaphore, #tpu.memory_space<semaphore_mem>>)
      %dma_wait3A_214 = arith.constant 0 : i32
      %dma_wait3A_215 = arith.constant 0 : i32
      %dma_wait3A_216 = tpu.memref_slice %arg10[%run_scoped3A_7, %dma_wait3A_214, %dma_wait3A_215] : memref<2x128x128xf32, #tpu.memory_space<vmem>> -> memref<1x40x128xf32, #tpu.memory_space<vmem>>
      %dma_wait3A_217 = tpu.memref_squeeze %dma_wait3A_216 : memref<1x40x128xf32, #tpu.memory_space<vmem>> -> memref<40x128xf32, #tpu.memory_space<vmem>>
      %dma_wait3A_218 = arith.constant 0 : i32
      %dma_wait3A_219 = tpu.memref_slice %arg12[%mul3A_6, %dma_wait3A_218] : memref<640x128xf32, #tpu.memory_space<vmem_shared>> -> memref<40x128xf32, #tpu.memory_space<vmem_shared>>
      %dma_wait3A_220 = arith.constant 0 : i32
      %dma_wait3A_221 = tpu.memref_slice %arg12[%mul3A_6, %dma_wait3A_220] : memref<640x128xf32, #tpu.memory_space<vmem_shared>> -> memref<40x128xf32, #tpu.memory_space<vmem_shared>>
      %dma_wait3A_222 = arith.constant 0 : i32
      %dma_wait3A_223 = arith.constant 0 : i32
      %dma_wait3A_224 = tpu.memref_slice %arg10[%run_scoped3A_7, %dma_wait3A_222, %dma_wait3A_223] : memref<2x128x128xf32, #tpu.memory_space<vmem>> -> memref<1x40x128xf32, #tpu.memory_space<vmem>>
      %dma_wait3A_225 = tpu.memref_squeeze %dma_wait3A_224 : memref<1x40x128xf32, #tpu.memory_space<vmem>> -> memref<40x128xf32, #tpu.memory_space<vmem>>
      tpu.wait_dma2 semaphore(%run_scoped3A_201 : memref<!tpu.dma_semaphore, #tpu.memory_space<semaphore_mem>>) src(%dma_wait3A_225 : memref<40x128xf32, #tpu.memory_space<vmem>>) dst(%dma_wait3A_221 : memref<40x128xf32, #tpu.memory_space<vmem_shared>>)
      tpu.yield
    }) : () -> ()
    "tpu.region"() ({
      %run_scoped3A_201 = tpu.sem_alloc : memref<!tpu.dma_semaphore, #tpu.memory_space<semaphore_mem>>
      %dma_start3A_202 = tpu.memref_slice %arg4[%mul3A_2] : memref<204800xi32, #tpu.memory_space<hbm>> -> memref<6400xi32, #tpu.memory_space<hbm>>
      %dma_start3A_203 = tpu.memref_slice %arg4[%mul3A_2] : memref<204800xi32, #tpu.memory_space<hbm>> -> memref<6400xi32, #tpu.memory_space<hbm>>
      tpu.enqueue_dma source(%dma_start3A_203 : memref<6400xi32, #tpu.memory_space<hbm>>) target(%arg7 : memref<6400xi32, #tpu.memory_space<vmem>>) target_semaphore(%run_scoped3A_201 : memref<!tpu.dma_semaphore, #tpu.memory_space<semaphore_mem>>)
      %dma_wait3A_204 = tpu.memref_slice %arg4[%mul3A_2] : memref<204800xi32, #tpu.memory_space<hbm>> -> memref<6400xi32, #tpu.memory_space<hbm>>
      %dma_wait3A_205 = tpu.memref_slice %arg4[%mul3A_2] : memref<204800xi32, #tpu.memory_space<hbm>> -> memref<6400xi32, #tpu.memory_space<hbm>>
      tpu.wait_dma2 semaphore(%run_scoped3A_201 : memref<!tpu.dma_semaphore, #tpu.memory_space<semaphore_mem>>) src(%dma_wait3A_205 : memref<6400xi32, #tpu.memory_space<hbm>>) dst(%arg7 : memref<6400xi32, #tpu.memory_space<vmem>>)
      tpu.yield
    }) : () -> ()
    "tpu.region"() ({
      %run_scoped3A_201 = tpu.sem_alloc : memref<!tpu.dma_semaphore, #tpu.memory_space<semaphore_mem>>
      %dma_start3A_202 = tpu.memref_slice %arg5[%mul3A_2] : memref<204800xi32, #tpu.memory_space<hbm>> -> memref<6400xi32, #tpu.memory_space<hbm>>
      %dma_start3A_203 = tpu.memref_slice %arg5[%mul3A_2] : memref<204800xi32, #tpu.memory_space<hbm>> -> memref<6400xi32, #tpu.memory_space<hbm>>
      tpu.enqueue_dma source(%dma_start3A_203 : memref<6400xi32, #tpu.memory_space<hbm>>) target(%arg8 : memref<6400xi32, #tpu.memory_space<vmem>>) target_semaphore(%run_scoped3A_201 : memref<!tpu.dma_semaphore, #tpu.memory_space<semaphore_mem>>)
      %dma_wait3A_204 = tpu.memref_slice %arg5[%mul3A_2] : memref<204800xi32, #tpu.memory_space<hbm>> -> memref<6400xi32, #tpu.memory_space<hbm>>
      %dma_wait3A_205 = tpu.memref_slice %arg5[%mul3A_2] : memref<204800xi32, #tpu.memory_space<hbm>> -> memref<6400xi32, #tpu.memory_space<hbm>>
      tpu.wait_dma2 semaphore(%run_scoped3A_201 : memref<!tpu.dma_semaphore, #tpu.memory_space<semaphore_mem>>) src(%dma_wait3A_205 : memref<6400xi32, #tpu.memory_space<hbm>>) dst(%arg8 : memref<6400xi32, #tpu.memory_space<vmem>>)
      tpu.yield
    }) : () -> ()
    %scan3A = arith.constant 0 : i32
    %scan3A_8 = arith.constant 400 : i32
    %scan3A_9 = arith.addi %scan3A, %scan3A_8 : i32
    %scan3A_10 = arith.constant 1 : i32
    scf.for %scan3A_201 = %scan3A to %scan3A_9 step %scan3A_10  : i32 {
      %mul3A_202 = arith.constant 1 : i32
      %mul3A_203 = arith.muli %scan3A_201, %mul3A_202 : i32
      %add3A_204 = arith.constant 0 : i32
      %add3A_205 = arith.addi %add3A_204, %mul3A_203 : i32
      %mul3A_206 = arith.constant 16 : i32
      %mul3A_207 = arith.muli %add3A_205, %mul3A_206 : i32
      %mul3A_208 = arith.constant 16 : i32
      %mul3A_209 = arith.muli %add3A_205, %mul3A_208 : i32
      %add3A_210 = arith.addi %mul3A_2, %mul3A_209 : i32
      %iota3A = tpu.iota {dimensions = array<i32: 0>} : vector<16xi32>
      %add3A_211 = vector.broadcast %add3A_210 : i32 to vector<16xi32>
      %add3A_212 = arith.addi %add3A_211, %iota3A : vector<16xi32>
      %get3A = arith.index_cast %mul3A_207 : i32 to index
      %get3A_213 = tpu.vector_load %arg8[%get3A] {strides = array<i32>} : memref<6400xi32, #tpu.memory_space<vmem>>, vector<16xi32>,
      %get3A_214 = vector.shape_cast %get3A_213 : vector<16xi32> to vector<16xi32>
      %mul3A_215 = arith.constant 200 : i32
      %mul3A_216 = vector.broadcast %mul3A_215 : i32 to vector<16xi32>
      %mul3A_217 = arith.muli %get3A_214, %mul3A_216 : vector<16xi32>
      %rem3A = arith.constant 200 : i32
      %rem3A_218 = vector.broadcast %rem3A : i32 to vector<16xi32>
      %rem3A_219 = arith.remsi %add3A_212, %rem3A_218 : vector<16xi32>
      %add3A_220 = arith.addi %mul3A_217, %rem3A_219 : vector<16xi32>
      %swap3A = arith.index_cast %mul3A_207 : i32 to index
      %swap3A_221 = tpu.vector_load %arg8[%swap3A] {strides = array<i32>} : memref<6400xi32, #tpu.memory_space<vmem>>, vector<16xi32>,
      %swap3A_222 = vector.shape_cast %swap3A_221 : vector<16xi32> to vector<16xi32>
      %swap3A_223 = vector.shape_cast %add3A_220 : vector<16xi32> to vector<16xi32>
      tpu.vector_store %arg8[%swap3A], %swap3A_223 {strides = array<i32>} : memref<6400xi32, #tpu.memory_space<vmem>>, vector<16xi32>,
    }
    %scan3A_11 = arith.constant 400 : i32
    %barrier3A = arith.constant 0 : index
    tpu.barrier barrier_id(%barrier3A)
    %dma_start3A = arith.constant 0 : i32
    %dma_start3A_12 = arith.constant 0 : i32
    %dma_start3A_13 = arith.constant 0 : i32
    %dma_start3A_14 = tpu.memref_slice %arg9[%dma_start3A, %dma_start3A_12, %dma_start3A_13] : memref<2x128x128xf32, #tpu.memory_space<vmem>> -> memref<1x128x128xf32, #tpu.memory_space<vmem>>
    %dma_start3A_15 = tpu.memref_squeeze %dma_start3A_14 : memref<1x128x128xf32, #tpu.memory_space<vmem>> -> memref<128x128xf32, #tpu.memory_space<vmem>>
    %dma_start3A_16 = arith.constant 0 : i32
    %dma_start3A_17 = tpu.memref_slice %arg7[%dma_start3A_16] : memref<6400xi32, #tpu.memory_space<vmem>> -> memref<128xi32, #tpu.memory_space<vmem>>
    %dma_start3A_18 = arith.constant 0 : i32
    %dma_start3A_19 = arith.constant 0 : i32
    %dma_start3A_20 = tpu.memref_slice %arg2[%dma_start3A_18, %dma_start3A_19] : memref<100000x128xf32, #tpu.memory_space<hbm>> -> memref<100000x128xf32, #tpu.memory_space<hbm>>
    tpu.enqueue_indirect_dma source(%dma_start3A_20 : memref<100000x128xf32, #tpu.memory_space<hbm>>) target(%dma_start3A_15 : memref<128x128xf32, #tpu.memory_space<vmem>>) offsets(%dma_start3A_17 : memref<128xi32, #tpu.memory_space<vmem>>) semaphore(%arg13 : memref<!tpu.dma_semaphore, #tpu.memory_space<semaphore_mem>>)
    %dma_start3A_21 = arith.constant 0 : i32
    %dma_start3A_22 = arith.constant 0 : i32
    %dma_start3A_23 = arith.constant 0 : i32
    %dma_start3A_24 = tpu.memref_slice %arg10[%dma_start3A_21, %dma_start3A_22, %dma_start3A_23] : memref<2x128x128xf32, #tpu.memory_space<vmem>> -> memref<1x128x128xf32, #tpu.memory_space<vmem>>
    %dma_start3A_25 = tpu.memref_squeeze %dma_start3A_24 : memref<1x128x128xf32, #tpu.memory_space<vmem>> -> memref<128x128xf32, #tpu.memory_space<vmem>>
    %dma_start3A_26 = arith.constant 0 : i32
    %dma_start3A_27 = tpu.memref_slice %arg8[%dma_start3A_26] : memref<6400xi32, #tpu.memory_space<vmem>> -> memref<128xi32, #tpu.memory_space<vmem>>
    %dma_start3A_28 = arith.constant 0 : i32
    %dma_start3A_29 = arith.constant 0 : i32
    %dma_start3A_30 = tpu.memref_slice %arg12[%dma_start3A_28, %dma_start3A_29] : memref<640x128xf32, #tpu.memory_space<vmem_shared>> -> memref<640x128xf32, #tpu.memory_space<vmem_shared>>
    tpu.enqueue_indirect_dma source(%dma_start3A_30 : memref<640x128xf32, #tpu.memory_space<vmem_shared>>) target(%dma_start3A_25 : memref<128x128xf32, #tpu.memory_space<vmem>>) offsets(%dma_start3A_27 : memref<128xi32, #tpu.memory_space<vmem>>) semaphore(%arg15 : memref<!tpu.dma_semaphore, #tpu.memory_space<semaphore_mem>>)
    %dma_start3A_31 = arith.constant 1 : i32
    %dma_start3A_32 = arith.constant 0 : i32
    %dma_start3A_33 = arith.constant 0 : i32
    %dma_start3A_34 = tpu.memref_slice %arg9[%dma_start3A_31, %dma_start3A_32, %dma_start3A_33] : memref<2x128x128xf32, #tpu.memory_space<vmem>> -> memref<1x128x128xf32, #tpu.memory_space<vmem>>
    %dma_start3A_35 = tpu.memref_squeeze %dma_start3A_34 : memref<1x128x128xf32, #tpu.memory_space<vmem>> -> memref<128x128xf32, #tpu.memory_space<vmem>>
    %dma_start3A_36 = arith.constant 128 : i32
    %dma_start3A_37 = tpu.memref_slice %arg7[%dma_start3A_36] : memref<6400xi32, #tpu.memory_space<vmem>> -> memref<128xi32, #tpu.memory_space<vmem>>
    %dma_start3A_38 = arith.constant 0 : i32
    %dma_start3A_39 = arith.constant 0 : i32
    %dma_start3A_40 = tpu.memref_slice %arg2[%dma_start3A_38, %dma_start3A_39] : memref<100000x128xf32, #tpu.memory_space<hbm>> -> memref<100000x128xf32, #tpu.memory_space<hbm>>
    tpu.enqueue_indirect_dma source(%dma_start3A_40 : memref<100000x128xf32, #tpu.memory_space<hbm>>) target(%dma_start3A_35 : memref<128x128xf32, #tpu.memory_space<vmem>>) offsets(%dma_start3A_37 : memref<128xi32, #tpu.memory_space<vmem>>) semaphore(%arg14 : memref<!tpu.dma_semaphore, #tpu.memory_space<semaphore_mem>>)
    %dma_start3A_41 = arith.constant 1 : i32
    %dma_start3A_42 = arith.constant 0 : i32
    %dma_start3A_43 = arith.constant 0 : i32
    %dma_start3A_44 = tpu.memref_slice %arg10[%dma_start3A_41, %dma_start3A_42, %dma_start3A_43] : memref<2x128x128xf32, #tpu.memory_space<vmem>> -> memref<1x128x128xf32, #tpu.memory_space<vmem>>
    %dma_start3A_45 = tpu.memref_squeeze %dma_start3A_44 : memref<1x128x128xf32, #tpu.memory_space<vmem>> -> memref<128x128xf32, #tpu.memory_space<vmem>>
    %dma_start3A_46 = arith.constant 128 : i32
    %dma_start3A_47 = tpu.memref_slice %arg8[%dma_start3A_46] : memref<6400xi32, #tpu.memory_space<vmem>> -> memref<128xi32, #tpu.memory_space<vmem>>
    %dma_start3A_48 = arith.constant 0 : i32
    %dma_start3A_49 = arith.constant 0 : i32
    %dma_start3A_50 = tpu.memref_slice %arg12[%dma_start3A_48, %dma_start3A_49] : memref<640x128xf32, #tpu.memory_space<vmem_shared>> -> memref<640x128xf32, #tpu.memory_space<vmem_shared>>
    tpu.enqueue_indirect_dma source(%dma_start3A_50 : memref<640x128xf32, #tpu.memory_space<vmem_shared>>) target(%dma_start3A_45 : memref<128x128xf32, #tpu.memory_space<vmem>>) offsets(%dma_start3A_47 : memref<128xi32, #tpu.memory_space<vmem>>) semaphore(%arg16 : memref<!tpu.dma_semaphore, #tpu.memory_space<semaphore_mem>>)
    %scan3A_51 = arith.constant 0 : i32
    %scan3A_52 = arith.constant 24 : i32
    %scan3A_53 = arith.addi %scan3A_51, %scan3A_52 : i32
    %scan3A_54 = arith.constant 1 : i32
    scf.for %scan3A_201 = %scan3A_51 to %scan3A_53 step %scan3A_54  : i32 {
      %mul3A_202 = arith.constant 1 : i32
      %mul3A_203 = arith.muli %scan3A_201, %mul3A_202 : i32
      %add3A_204 = arith.constant 0 : i32
      %add3A_205 = arith.addi %add3A_204, %mul3A_203 : i32
      %mul3A_206 = arith.constant 2 : i32
      %mul3A_207 = arith.muli %mul3A_206, %add3A_205 : i32
      %add3A_208 = arith.constant 0 : i32
      %add3A_209 = arith.addi %mul3A_207, %add3A_208 : i32
      %mul3A_210 = arith.constant 128 : i32
      %mul3A_211 = arith.muli %add3A_209, %mul3A_210 : i32
      %dma_wait3A_212 = arith.constant 0 : i32
      %dma_wait3A_213 = arith.constant 0 : i32
      %dma_wait3A_214 = arith.constant 0 : i32
      %dma_wait3A_215 = tpu.memref_slice %arg9[%dma_wait3A_212, %dma_wait3A_213, %dma_wait3A_214] : memref<2x128x128xf32, #tpu.memory_space<vmem>> -> memref<1x128x128xf32, #tpu.memory_space<vmem>>
      %dma_wait3A_216 = tpu.memref_squeeze %dma_wait3A_215 : memref<1x128x128xf32, #tpu.memory_space<vmem>> -> memref<128x128xf32, #tpu.memory_space<vmem>>
      %dma_wait3A_217 = tpu.memref_slice %arg7[%mul3A_211] : memref<6400xi32, #tpu.memory_space<vmem>> -> memref<128xi32, #tpu.memory_space<vmem>>
      %dma_wait3A_218 = arith.constant 0 : i32
      %dma_wait3A_219 = arith.constant 0 : i32
      %dma_wait3A_220 = tpu.memref_slice %arg2[%dma_wait3A_218, %dma_wait3A_219] : memref<100000x128xf32, #tpu.memory_space<hbm>> -> memref<100000x128xf32, #tpu.memory_space<hbm>>
      tpu.wait_indirect_dma semaphore(%arg13 : memref<!tpu.dma_semaphore, #tpu.memory_space<semaphore_mem>>) src(%dma_wait3A_220 : memref<100000x128xf32, #tpu.memory_space<hbm>>) dst(%dma_wait3A_216 : memref<128x128xf32, #tpu.memory_space<vmem>>)
      %mul3A_221 = arith.constant 128 : i32
      %mul3A_222 = arith.muli %add3A_209, %mul3A_221 : i32
      %dma_wait3A_223 = arith.constant 0 : i32
      %dma_wait3A_224 = arith.constant 0 : i32
      %dma_wait3A_225 = arith.constant 0 : i32
      %dma_wait3A_226 = tpu.memref_slice %arg10[%dma_wait3A_223, %dma_wait3A_224, %dma_wait3A_225] : memref<2x128x128xf32, #tpu.memory_space<vmem>> -> memref<1x128x128xf32, #tpu.memory_space<vmem>>
      %dma_wait3A_227 = tpu.memref_squeeze %dma_wait3A_226 : memref<1x128x128xf32, #tpu.memory_space<vmem>> -> memref<128x128xf32, #tpu.memory_space<vmem>>
      %dma_wait3A_228 = tpu.memref_slice %arg8[%mul3A_222] : memref<6400xi32, #tpu.memory_space<vmem>> -> memref<128xi32, #tpu.memory_space<vmem>>
      %dma_wait3A_229 = arith.constant 0 : i32
      %dma_wait3A_230 = arith.constant 0 : i32
      %dma_wait3A_231 = tpu.memref_slice %arg12[%dma_wait3A_229, %dma_wait3A_230] : memref<640x128xf32, #tpu.memory_space<vmem_shared>> -> memref<640x128xf32, #tpu.memory_space<vmem_shared>>
      tpu.wait_indirect_dma semaphore(%arg15 : memref<!tpu.dma_semaphore, #tpu.memory_space<semaphore_mem>>) src(%dma_wait3A_231 : memref<640x128xf32, #tpu.memory_space<vmem_shared>>) dst(%dma_wait3A_227 : memref<128x128xf32, #tpu.memory_space<vmem>>)
      %ge3A = arith.constant 2 : i32
      %ge3A_232 = arith.cmpi sge, %add3A_209, %ge3A : i32
      %convert_element_type3A = arith.extui %ge3A_232 : i1 to i32
      %cond3A = arith.constant 0 : i32
      %cond3A_233 = arith.cmpi ne, %convert_element_type3A, %cond3A : i32
      scf.if %cond3A_233 {
        %sub3A = arith.constant 2 : i32
        %sub3A_361 = arith.subi %add3A_209, %sub3A : i32
        %mul3A_362 = arith.constant 128 : i32
        %mul3A_363 = arith.muli %sub3A_361, %mul3A_362 : i32
        %add3A_364 = arith.addi %mul3A_2, %mul3A_363 : i32
        %dma_wait3A_365 = arith.constant 0 : i32
        %dma_wait3A_366 = arith.constant 0 : i32
        %dma_wait3A_367 = arith.constant 0 : i32
        %dma_wait3A_368 = tpu.memref_slice %arg11[%dma_wait3A_365, %dma_wait3A_366, %dma_wait3A_367] : memref<2x128x128xf32, #tpu.memory_space<vmem>> -> memref<1x128x128xf32, #tpu.memory_space<vmem>>
        %dma_wait3A_369 = tpu.memref_squeeze %dma_wait3A_368 : memref<1x128x128xf32, #tpu.memory_space<vmem>> -> memref<128x128xf32, #tpu.memory_space<vmem>>
        %dma_wait3A_370 = arith.constant 0 : i32
        %dma_wait3A_371 = tpu.memref_slice %arg6[%add3A_364, %dma_wait3A_370] : memref<204800x128xf32, #tpu.memory_space<hbm>> -> memref<128x128xf32, #tpu.memory_space<hbm>>
        %dma_wait3A_372 = arith.constant 0 : i32
        %dma_wait3A_373 = tpu.memref_slice %arg6[%add3A_364, %dma_wait3A_372] : memref<204800x128xf32, #tpu.memory_space<hbm>> -> memref<128x128xf32, #tpu.memory_space<hbm>>
        %dma_wait3A_374 = arith.constant 0 : i32
        %dma_wait3A_375 = arith.constant 0 : i32
        %dma_wait3A_376 = tpu.memref_slice %arg11[%dma_wait3A_365, %dma_wait3A_374, %dma_wait3A_375] : memref<2x128x128xf32, #tpu.memory_space<vmem>> -> memref<1x128x128xf32, #tpu.memory_space<vmem>>
        %dma_wait3A_377 = tpu.memref_squeeze %dma_wait3A_376 : memref<1x128x128xf32, #tpu.memory_space<vmem>> -> memref<128x128xf32, #tpu.memory_space<vmem>>
        tpu.wait_dma2 semaphore(%arg17 : memref<!tpu.dma_semaphore, #tpu.memory_space<semaphore_mem>>) src(%dma_wait3A_377 : memref<128x128xf32, #tpu.memory_space<vmem>>) dst(%dma_wait3A_373 : memref<128x128xf32, #tpu.memory_space<hbm>>)
      } else {
      }
      %scan3A_234 = arith.constant 0 : i32
      %scan3A_235 = arith.constant 0 : i32
      %scan3A_236 = arith.constant 0 : i32
      %scan3A_237 = arith.constant 0 : i32
      %scan3A_238 = arith.constant 128 : i32
      %scan3A_239 = arith.addi %scan3A_237, %scan3A_238 : i32
      %scan3A_240 = arith.constant 1 : i32
      scf.for %scan3A_361 = %scan3A_237 to %scan3A_239 step %scan3A_240  : i32 {
        %mul3A_362 = arith.constant 1 : i32
        %mul3A_363 = arith.muli %scan3A_361, %mul3A_362 : i32
        %add3A_364 = arith.constant 0 : i32
        %add3A_365 = arith.addi %add3A_364, %mul3A_363 : i32
        %get3A = arith.constant 0 : i32
        %get3A_366 = arith.constant 0 : i32
        %get3A_367 = tpu.memref_slice %arg9[%scan3A_234, %get3A, %get3A_366] : memref<2x128x128xf32, #tpu.memory_space<vmem>> -> memref<1x128x128xf32, #tpu.memory_space<vmem>>
        %get3A_368 = tpu.memref_squeeze %get3A_367 : memref<1x128x128xf32, #tpu.memory_space<vmem>> -> memref<128x128xf32, #tpu.memory_space<vmem>>
        %get3A_369 = arith.index_cast %add3A_365 : i32 to index
        %get3A_370 = arith.constant 0 : index
        %get3A_371 = tpu.vector_load %get3A_368[%get3A_369, %get3A_370] {strides = array<i32>} : memref<128x128xf32, #tpu.memory_space<vmem>>, vector<1x16xf32>,
        %get3A_372 = vector.shape_cast %get3A_371 : vector<1x16xf32> to vector<16xf32>
        %get3A_373 = arith.constant 0 : i32
        %get3A_374 = arith.constant 0 : i32
        %get3A_375 = tpu.memref_slice %arg10[%scan3A_235, %get3A_373, %get3A_374] : memref<2x128x128xf32, #tpu.memory_space<vmem>> -> memref<1x128x128xf32, #tpu.memory_space<vmem>>
        %get3A_376 = tpu.memref_squeeze %get3A_375 : memref<1x128x128xf32, #tpu.memory_space<vmem>> -> memref<128x128xf32, #tpu.memory_space<vmem>>
        %get3A_377 = arith.index_cast %add3A_365 : i32 to index
        %get3A_378 = arith.constant 0 : index
        %get3A_379 = tpu.vector_load %get3A_376[%get3A_377, %get3A_378] {strides = array<i32>} : memref<128x128xf32, #tpu.memory_space<vmem>>, vector<1x16xf32>,
        %get3A_380 = vector.shape_cast %get3A_379 : vector<1x16xf32> to vector<16xf32>
        %add3A_381 = arith.addf %get3A_372, %get3A_380 : vector<16xf32>
        %swap3A = arith.constant 0 : i32
        %swap3A_382 = arith.constant 0 : i32
        %swap3A_383 = tpu.memref_slice %arg11[%scan3A_236, %swap3A, %swap3A_382] : memref<2x128x128xf32, #tpu.memory_space<vmem>> -> memref<1x128x128xf32, #tpu.memory_space<vmem>>
        %swap3A_384 = tpu.memref_squeeze %swap3A_383 : memref<1x128x128xf32, #tpu.memory_space<vmem>> -> memref<128x128xf32, #tpu.memory_space<vmem>>
        %swap3A_385 = arith.index_cast %add3A_365 : i32 to index
        %swap3A_386 = arith.constant 0 : index
        %swap3A_387 = tpu.vector_load %swap3A_384[%swap3A_385, %swap3A_386] {strides = array<i32>} : memref<128x128xf32, #tpu.memory_space<vmem>>, vector<1x16xf32>,
        %swap3A_388 = vector.shape_cast %swap3A_387 : vector<1x16xf32> to vector<16xf32>
        %swap3A_389 = vector.shape_cast %add3A_381 : vector<16xf32> to vector<1x16xf32>
        tpu.vector_store %swap3A_384[%swap3A_385, %swap3A_386], %swap3A_389 {strides = array<i32>} : memref<128x128xf32, #tpu.memory_space<vmem>>, vector<1x16xf32>,
        %get3A_390 = arith.constant 0 : i32
        %get3A_391 = arith.constant 0 : i32
        %get3A_392 = tpu.memref_slice %arg9[%scan3A_234, %get3A_390, %get3A_391] : memref<2x128x128xf32, #tpu.memory_space<vmem>> -> memref<1x128x128xf32, #tpu.memory_space<vmem>>
        %get3A_393 = tpu.memref_squeeze %get3A_392 : memref<1x128x128xf32, #tpu.memory_space<vmem>> -> memref<128x128xf32, #tpu.memory_space<vmem>>
        %get3A_394 = arith.index_cast %add3A_365 : i32 to index
        %get3A_395 = arith.constant 16 : index
        %get3A_396 = tpu.vector_load %get3A_393[%get3A_394, %get3A_395] {strides = array<i32>} : memref<128x128xf32, #tpu.memory_space<vmem>>, vector<1x16xf32>,
        %get3A_397 = vector.shape_cast %get3A_396 : vector<1x16xf32> to vector<16xf32>
        %get3A_398 = arith.constant 0 : i32
        %get3A_399 = arith.constant 0 : i32
        %get3A_400 = tpu.memref_slice %arg10[%scan3A_235, %get3A_398, %get3A_399] : memref<2x128x128xf32, #tpu.memory_space<vmem>> -> memref<1x128x128xf32, #tpu.memory_space<vmem>>
        %get3A_401 = tpu.memref_squeeze %get3A_400 : memref<1x128x128xf32, #tpu.memory_space<vmem>> -> memref<128x128xf32, #tpu.memory_space<vmem>>
        %get3A_402 = arith.index_cast %add3A_365 : i32 to index
        %get3A_403 = arith.constant 16 : index
        %get3A_404 = tpu.vector_load %get3A_401[%get3A_402, %get3A_403] {strides = array<i32>} : memref<128x128xf32, #tpu.memory_space<vmem>>, vector<1x16xf32>,
        %get3A_405 = vector.shape_cast %get3A_404 : vector<1x16xf32> to vector<16xf32>
        %add3A_406 = arith.addf %get3A_397, %get3A_405 : vector<16xf32>
        %swap3A_407 = arith.constant 0 : i32
        %swap3A_408 = arith.constant 0 : i32
        %swap3A_409 = tpu.memref_slice %arg11[%scan3A_236, %swap3A_407, %swap3A_408] : memref<2x128x128xf32, #tpu.memory_space<vmem>> -> memref<1x128x128xf32, #tpu.memory_space<vmem>>
        %swap3A_410 = tpu.memref_squeeze %swap3A_409 : memref<1x128x128xf32, #tpu.memory_space<vmem>> -> memref<128x128xf32, #tpu.memory_space<vmem>>
        %swap3A_411 = arith.index_cast %add3A_365 : i32 to index
        %swap3A_412 = arith.constant 16 : index
        %swap3A_413 = tpu.vector_load %swap3A_410[%swap3A_411, %swap3A_412] {strides = array<i32>} : memref<128x128xf32, #tpu.memory_space<vmem>>, vector<1x16xf32>,
        %swap3A_414 = vector.shape_cast %swap3A_413 : vector<1x16xf32> to vector<16xf32>
        %swap3A_415 = vector.shape_cast %add3A_406 : vector<16xf32> to vector<1x16xf32>
        tpu.vector_store %swap3A_410[%swap3A_411, %swap3A_412], %swap3A_415 {strides = array<i32>} : memref<128x128xf32, #tpu.memory_space<vmem>>, vector<1x16xf32>,
        %get3A_416 = arith.constant 0 : i32
        %get3A_417 = arith.constant 0 : i32
        %get3A_418 = tpu.memref_slice %arg9[%scan3A_234, %get3A_416, %get3A_417] : memref<2x128x128xf32, #tpu.memory_space<vmem>> -> memref<1x128x128xf32, #tpu.memory_space<vmem>>
        %get3A_419 = tpu.memref_squeeze %get3A_418 : memref<1x128x128xf32, #tpu.memory_space<vmem>> -> memref<128x128xf32, #tpu.memory_space<vmem>>
        %get3A_420 = arith.index_cast %add3A_365 : i32 to index
        %get3A_421 = arith.constant 32 : index
        %get3A_422 = tpu.vector_load %get3A_419[%get3A_420, %get3A_421] {strides = array<i32>} : memref<128x128xf32, #tpu.memory_space<vmem>>, vector<1x16xf32>,
        %get3A_423 = vector.shape_cast %get3A_422 : vector<1x16xf32> to vector<16xf32>
        %get3A_424 = arith.constant 0 : i32
        %get3A_425 = arith.constant 0 : i32
        %get3A_426 = tpu.memref_slice %arg10[%scan3A_235, %get3A_424, %get3A_425] : memref<2x128x128xf32, #tpu.memory_space<vmem>> -> memref<1x128x128xf32, #tpu.memory_space<vmem>>
        %get3A_427 = tpu.memref_squeeze %get3A_426 : memref<1x128x128xf32, #tpu.memory_space<vmem>> -> memref<128x128xf32, #tpu.memory_space<vmem>>
        %get3A_428 = arith.index_cast %add3A_365 : i32 to index
        %get3A_429 = arith.constant 32 : index
        %get3A_430 = tpu.vector_load %get3A_427[%get3A_428, %get3A_429] {strides = array<i32>} : memref<128x128xf32, #tpu.memory_space<vmem>>, vector<1x16xf32>,
        %get3A_431 = vector.shape_cast %get3A_430 : vector<1x16xf32> to vector<16xf32>
        %add3A_432 = arith.addf %get3A_423, %get3A_431 : vector<16xf32>
        %swap3A_433 = arith.constant 0 : i32
        %swap3A_434 = arith.constant 0 : i32
        %swap3A_435 = tpu.memref_slice %arg11[%scan3A_236, %swap3A_433, %swap3A_434] : memref<2x128x128xf32, #tpu.memory_space<vmem>> -> memref<1x128x128xf32, #tpu.memory_space<vmem>>
        %swap3A_436 = tpu.memref_squeeze %swap3A_435 : memref<1x128x128xf32, #tpu.memory_space<vmem>> -> memref<128x128xf32, #tpu.memory_space<vmem>>
        %swap3A_437 = arith.index_cast %add3A_365 : i32 to index
        %swap3A_438 = arith.constant 32 : index
        %swap3A_439 = tpu.vector_load %swap3A_436[%swap3A_437, %swap3A_438] {strides = array<i32>} : memref<128x128xf32, #tpu.memory_space<vmem>>, vector<1x16xf32>,
        %swap3A_440 = vector.shape_cast %swap3A_439 : vector<1x16xf32> to vector<16xf32>
        %swap3A_441 = vector.shape_cast %add3A_432 : vector<16xf32> to vector<1x16xf32>
        tpu.vector_store %swap3A_436[%swap3A_437, %swap3A_438], %swap3A_441 {strides = array<i32>} : memref<128x128xf32, #tpu.memory_space<vmem>>, vector<1x16xf32>,
        %get3A_442 = arith.constant 0 : i32
        %get3A_443 = arith.constant 0 : i32
        %get3A_444 = tpu.memref_slice %arg9[%scan3A_234, %get3A_442, %get3A_443] : memref<2x128x128xf32, #tpu.memory_space<vmem>> -> memref<1x128x128xf32, #tpu.memory_space<vmem>>
        %get3A_445 = tpu.memref_squeeze %get3A_444 : memref<1x128x128xf32, #tpu.memory_space<vmem>> -> memref<128x128xf32, #tpu.memory_space<vmem>>
        %get3A_446 = arith.index_cast %add3A_365 : i32 to index
        %get3A_447 = arith.constant 48 : index
        %get3A_448 = tpu.vector_load %get3A_445[%get3A_446, %get3A_447] {strides = array<i32>} : memref<128x128xf32, #tpu.memory_space<vmem>>, vector<1x16xf32>,
        %get3A_449 = vector.shape_cast %get3A_448 : vector<1x16xf32> to vector<16xf32>
        %get3A_450 = arith.constant 0 : i32
        %get3A_451 = arith.constant 0 : i32
        %get3A_452 = tpu.memref_slice %arg10[%scan3A_235, %get3A_450, %get3A_451] : memref<2x128x128xf32, #tpu.memory_space<vmem>> -> memref<1x128x128xf32, #tpu.memory_space<vmem>>
        %get3A_453 = tpu.memref_squeeze %get3A_452 : memref<1x128x128xf32, #tpu.memory_space<vmem>> -> memref<128x128xf32, #tpu.memory_space<vmem>>
        %get3A_454 = arith.index_cast %add3A_365 : i32 to index
        %get3A_455 = arith.constant 48 : index
        %get3A_456 = tpu.vector_load %get3A_453[%get3A_454, %get3A_455] {strides = array<i32>} : memref<128x128xf32, #tpu.memory_space<vmem>>, vector<1x16xf32>,
        %get3A_457 = vector.shape_cast %get3A_456 : vector<1x16xf32> to vector<16xf32>
        %add3A_458 = arith.addf %get3A_449, %get3A_457 : vector<16xf32>
        %swap3A_459 = arith.constant 0 : i32
        %swap3A_460 = arith.constant 0 : i32
        %swap3A_461 = tpu.memref_slice %arg11[%scan3A_236, %swap3A_459, %swap3A_460] : memref<2x128x128xf32, #tpu.memory_space<vmem>> -> memref<1x128x128xf32, #tpu.memory_space<vmem>>
        %swap3A_462 = tpu.memref_squeeze %swap3A_461 : memref<1x128x128xf32, #tpu.memory_space<vmem>> -> memref<128x128xf32, #tpu.memory_space<vmem>>
        %swap3A_463 = arith.index_cast %add3A_365 : i32 to index
        %swap3A_464 = arith.constant 48 : index
        %swap3A_465 = tpu.vector_load %swap3A_462[%swap3A_463, %swap3A_464] {strides = array<i32>} : memref<128x128xf32, #tpu.memory_space<vmem>>, vector<1x16xf32>,
        %swap3A_466 = vector.shape_cast %swap3A_465 : vector<1x16xf32> to vector<16xf32>
        %swap3A_467 = vector.shape_cast %add3A_458 : vector<16xf32> to vector<1x16xf32>
        tpu.vector_store %swap3A_462[%swap3A_463, %swap3A_464], %swap3A_467 {strides = array<i32>} : memref<128x128xf32, #tpu.memory_space<vmem>>, vector<1x16xf32>,
        %get3A_468 = arith.constant 0 : i32
        %get3A_469 = arith.constant 0 : i32
        %get3A_470 = tpu.memref_slice %arg9[%scan3A_234, %get3A_468, %get3A_469] : memref<2x128x128xf32, #tpu.memory_space<vmem>> -> memref<1x128x128xf32, #tpu.memory_space<vmem>>
        %get3A_471 = tpu.memref_squeeze %get3A_470 : memref<1x128x128xf32, #tpu.memory_space<vmem>> -> memref<128x128xf32, #tpu.memory_space<vmem>>
        %get3A_472 = arith.index_cast %add3A_365 : i32 to index
        %get3A_473 = arith.constant 64 : index
        %get3A_474 = tpu.vector_load %get3A_471[%get3A_472, %get3A_473] {strides = array<i32>} : memref<128x128xf32, #tpu.memory_space<vmem>>, vector<1x16xf32>,
        %get3A_475 = vector.shape_cast %get3A_474 : vector<1x16xf32> to vector<16xf32>
        %get3A_476 = arith.constant 0 : i32
        %get3A_477 = arith.constant 0 : i32
        %get3A_478 = tpu.memref_slice %arg10[%scan3A_235, %get3A_476, %get3A_477] : memref<2x128x128xf32, #tpu.memory_space<vmem>> -> memref<1x128x128xf32, #tpu.memory_space<vmem>>
        %get3A_479 = tpu.memref_squeeze %get3A_478 : memref<1x128x128xf32, #tpu.memory_space<vmem>> -> memref<128x128xf32, #tpu.memory_space<vmem>>
        %get3A_480 = arith.index_cast %add3A_365 : i32 to index
        %get3A_481 = arith.constant 64 : index
        %get3A_482 = tpu.vector_load %get3A_479[%get3A_480, %get3A_481] {strides = array<i32>} : memref<128x128xf32, #tpu.memory_space<vmem>>, vector<1x16xf32>,
        %get3A_483 = vector.shape_cast %get3A_482 : vector<1x16xf32> to vector<16xf32>
        %add3A_484 = arith.addf %get3A_475, %get3A_483 : vector<16xf32>
        %swap3A_485 = arith.constant 0 : i32
        %swap3A_486 = arith.constant 0 : i32
        %swap3A_487 = tpu.memref_slice %arg11[%scan3A_236, %swap3A_485, %swap3A_486] : memref<2x128x128xf32, #tpu.memory_space<vmem>> -> memref<1x128x128xf32, #tpu.memory_space<vmem>>
        %swap3A_488 = tpu.memref_squeeze %swap3A_487 : memref<1x128x128xf32, #tpu.memory_space<vmem>> -> memref<128x128xf32, #tpu.memory_space<vmem>>
        %swap3A_489 = arith.index_cast %add3A_365 : i32 to index
        %swap3A_490 = arith.constant 64 : index
        %swap3A_491 = tpu.vector_load %swap3A_488[%swap3A_489, %swap3A_490] {strides = array<i32>} : memref<128x128xf32, #tpu.memory_space<vmem>>, vector<1x16xf32>,
        %swap3A_492 = vector.shape_cast %swap3A_491 : vector<1x16xf32> to vector<16xf32>
        %swap3A_493 = vector.shape_cast %add3A_484 : vector<16xf32> to vector<1x16xf32>
        tpu.vector_store %swap3A_488[%swap3A_489, %swap3A_490], %swap3A_493 {strides = array<i32>} : memref<128x128xf32, #tpu.memory_space<vmem>>, vector<1x16xf32>,
        %get3A_494 = arith.constant 0 : i32
        %get3A_495 = arith.constant 0 : i32
        %get3A_496 = tpu.memref_slice %arg9[%scan3A_234, %get3A_494, %get3A_495] : memref<2x128x128xf32, #tpu.memory_space<vmem>> -> memref<1x128x128xf32, #tpu.memory_space<vmem>>
        %get3A_497 = tpu.memref_squeeze %get3A_496 : memref<1x128x128xf32, #tpu.memory_space<vmem>> -> memref<128x128xf32, #tpu.memory_space<vmem>>
        %get3A_498 = arith.index_cast %add3A_365 : i32 to index
        %get3A_499 = arith.constant 80 : index
        %get3A_500 = tpu.vector_load %get3A_497[%get3A_498, %get3A_499] {strides = array<i32>} : memref<128x128xf32, #tpu.memory_space<vmem>>, vector<1x16xf32>,
        %get3A_501 = vector.shape_cast %get3A_500 : vector<1x16xf32> to vector<16xf32>
        %get3A_502 = arith.constant 0 : i32
        %get3A_503 = arith.constant 0 : i32
        %get3A_504 = tpu.memref_slice %arg10[%scan3A_235, %get3A_502, %get3A_503] : memref<2x128x128xf32, #tpu.memory_space<vmem>> -> memref<1x128x128xf32, #tpu.memory_space<vmem>>
        %get3A_505 = tpu.memref_squeeze %get3A_504 : memref<1x128x128xf32, #tpu.memory_space<vmem>> -> memref<128x128xf32, #tpu.memory_space<vmem>>
        %get3A_506 = arith.index_cast %add3A_365 : i32 to index
        %get3A_507 = arith.constant 80 : index
        %get3A_508 = tpu.vector_load %get3A_505[%get3A_506, %get3A_507] {strides = array<i32>} : memref<128x128xf32, #tpu.memory_space<vmem>>, vector<1x16xf32>,
        %get3A_509 = vector.shape_cast %get3A_508 : vector<1x16xf32> to vector<16xf32>
        %add3A_510 = arith.addf %get3A_501, %get3A_509 : vector<16xf32>
        %swap3A_511 = arith.constant 0 : i32
        %swap3A_512 = arith.constant 0 : i32
        %swap3A_513 = tpu.memref_slice %arg11[%scan3A_236, %swap3A_511, %swap3A_512] : memref<2x128x128xf32, #tpu.memory_space<vmem>> -> memref<1x128x128xf32, #tpu.memory_space<vmem>>
        %swap3A_514 = tpu.memref_squeeze %swap3A_513 : memref<1x128x128xf32, #tpu.memory_space<vmem>> -> memref<128x128xf32, #tpu.memory_space<vmem>>
        %swap3A_515 = arith.index_cast %add3A_365 : i32 to index
        %swap3A_516 = arith.constant 80 : index
        %swap3A_517 = tpu.vector_load %swap3A_514[%swap3A_515, %swap3A_516] {strides = array<i32>} : memref<128x128xf32, #tpu.memory_space<vmem>>, vector<1x16xf32>,
        %swap3A_518 = vector.shape_cast %swap3A_517 : vector<1x16xf32> to vector<16xf32>
        %swap3A_519 = vector.shape_cast %add3A_510 : vector<16xf32> to vector<1x16xf32>
        tpu.vector_store %swap3A_514[%swap3A_515, %swap3A_516], %swap3A_519 {strides = array<i32>} : memref<128x128xf32, #tpu.memory_space<vmem>>, vector<1x16xf32>,
        %get3A_520 = arith.constant 0 : i32
        %get3A_521 = arith.constant 0 : i32
        %get3A_522 = tpu.memref_slice %arg9[%scan3A_234, %get3A_520, %get3A_521] : memref<2x128x128xf32, #tpu.memory_space<vmem>> -> memref<1x128x128xf32, #tpu.memory_space<vmem>>
        %get3A_523 = tpu.memref_squeeze %get3A_522 : memref<1x128x128xf32, #tpu.memory_space<vmem>> -> memref<128x128xf32, #tpu.memory_space<vmem>>
        %get3A_524 = arith.index_cast %add3A_365 : i32 to index
        %get3A_525 = arith.constant 96 : index
        %get3A_526 = tpu.vector_load %get3A_523[%get3A_524, %get3A_525] {strides = array<i32>} : memref<128x128xf32, #tpu.memory_space<vmem>>, vector<1x16xf32>,
        %get3A_527 = vector.shape_cast %get3A_526 : vector<1x16xf32> to vector<16xf32>
        %get3A_528 = arith.constant 0 : i32
        %get3A_529 = arith.constant 0 : i32
        %get3A_530 = tpu.memref_slice %arg10[%scan3A_235, %get3A_528, %get3A_529] : memref<2x128x128xf32, #tpu.memory_space<vmem>> -> memref<1x128x128xf32, #tpu.memory_space<vmem>>
        %get3A_531 = tpu.memref_squeeze %get3A_530 : memref<1x128x128xf32, #tpu.memory_space<vmem>> -> memref<128x128xf32, #tpu.memory_space<vmem>>
        %get3A_532 = arith.index_cast %add3A_365 : i32 to index
        %get3A_533 = arith.constant 96 : index
        %get3A_534 = tpu.vector_load %get3A_531[%get3A_532, %get3A_533] {strides = array<i32>} : memref<128x128xf32, #tpu.memory_space<vmem>>, vector<1x16xf32>,
        %get3A_535 = vector.shape_cast %get3A_534 : vector<1x16xf32> to vector<16xf32>
        %add3A_536 = arith.addf %get3A_527, %get3A_535 : vector<16xf32>
        %swap3A_537 = arith.constant 0 : i32
        %swap3A_538 = arith.constant 0 : i32
        %swap3A_539 = tpu.memref_slice %arg11[%scan3A_236, %swap3A_537, %swap3A_538] : memref<2x128x128xf32, #tpu.memory_space<vmem>> -> memref<1x128x128xf32, #tpu.memory_space<vmem>>
        %swap3A_540 = tpu.memref_squeeze %swap3A_539 : memref<1x128x128xf32, #tpu.memory_space<vmem>> -> memref<128x128xf32, #tpu.memory_space<vmem>>
        %swap3A_541 = arith.index_cast %add3A_365 : i32 to index
        %swap3A_542 = arith.constant 96 : index
        %swap3A_543 = tpu.vector_load %swap3A_540[%swap3A_541, %swap3A_542] {strides = array<i32>} : memref<128x128xf32, #tpu.memory_space<vmem>>, vector<1x16xf32>,
        %swap3A_544 = vector.shape_cast %swap3A_543 : vector<1x16xf32> to vector<16xf32>
        %swap3A_545 = vector.shape_cast %add3A_536 : vector<16xf32> to vector<1x16xf32>
        tpu.vector_store %swap3A_540[%swap3A_541, %swap3A_542], %swap3A_545 {strides = array<i32>} : memref<128x128xf32, #tpu.memory_space<vmem>>, vector<1x16xf32>,
        %get3A_546 = arith.constant 0 : i32
        %get3A_547 = arith.constant 0 : i32
        %get3A_548 = tpu.memref_slice %arg9[%scan3A_234, %get3A_546, %get3A_547] : memref<2x128x128xf32, #tpu.memory_space<vmem>> -> memref<1x128x128xf32, #tpu.memory_space<vmem>>
        %get3A_549 = tpu.memref_squeeze %get3A_548 : memref<1x128x128xf32, #tpu.memory_space<vmem>> -> memref<128x128xf32, #tpu.memory_space<vmem>>
        %get3A_550 = arith.index_cast %add3A_365 : i32 to index
        %get3A_551 = arith.constant 112 : index
        %get3A_552 = tpu.vector_load %get3A_549[%get3A_550, %get3A_551] {strides = array<i32>} : memref<128x128xf32, #tpu.memory_space<vmem>>, vector<1x16xf32>,
        %get3A_553 = vector.shape_cast %get3A_552 : vector<1x16xf32> to vector<16xf32>
        %get3A_554 = arith.constant 0 : i32
        %get3A_555 = arith.constant 0 : i32
        %get3A_556 = tpu.memref_slice %arg10[%scan3A_235, %get3A_554, %get3A_555] : memref<2x128x128xf32, #tpu.memory_space<vmem>> -> memref<1x128x128xf32, #tpu.memory_space<vmem>>
        %get3A_557 = tpu.memref_squeeze %get3A_556 : memref<1x128x128xf32, #tpu.memory_space<vmem>> -> memref<128x128xf32, #tpu.memory_space<vmem>>
        %get3A_558 = arith.index_cast %add3A_365 : i32 to index
        %get3A_559 = arith.constant 112 : index
        %get3A_560 = tpu.vector_load %get3A_557[%get3A_558, %get3A_559] {strides = array<i32>} : memref<128x128xf32, #tpu.memory_space<vmem>>, vector<1x16xf32>,
        %get3A_561 = vector.shape_cast %get3A_560 : vector<1x16xf32> to vector<16xf32>
        %add3A_562 = arith.addf %get3A_553, %get3A_561 : vector<16xf32>
        %swap3A_563 = arith.constant 0 : i32
        %swap3A_564 = arith.constant 0 : i32
        %swap3A_565 = tpu.memref_slice %arg11[%scan3A_236, %swap3A_563, %swap3A_564] : memref<2x128x128xf32, #tpu.memory_space<vmem>> -> memref<1x128x128xf32, #tpu.memory_space<vmem>>
        %swap3A_566 = tpu.memref_squeeze %swap3A_565 : memref<1x128x128xf32, #tpu.memory_space<vmem>> -> memref<128x128xf32, #tpu.memory_space<vmem>>
        %swap3A_567 = arith.index_cast %add3A_365 : i32 to index
        %swap3A_568 = arith.constant 112 : index
        %swap3A_569 = tpu.vector_load %swap3A_566[%swap3A_567, %swap3A_568] {strides = array<i32>} : memref<128x128xf32, #tpu.memory_space<vmem>>, vector<1x16xf32>,
        %swap3A_570 = vector.shape_cast %swap3A_569 : vector<1x16xf32> to vector<16xf32>
        %swap3A_571 = vector.shape_cast %add3A_562 : vector<16xf32> to vector<1x16xf32>
        tpu.vector_store %swap3A_566[%swap3A_567, %swap3A_568], %swap3A_571 {strides = array<i32>} : memref<128x128xf32, #tpu.memory_space<vmem>>, vector<1x16xf32>,
      }
      %scan3A_241 = arith.constant 128 : i32
      %add3A_242 = arith.constant 2 : i32
      %add3A_243 = arith.addi %add3A_209, %add3A_242 : i32
      %mul3A_244 = arith.constant 128 : i32
      %mul3A_245 = arith.muli %add3A_243, %mul3A_244 : i32
      %dma_start3A_246 = arith.constant 0 : i32
      %dma_start3A_247 = arith.constant 0 : i32
      %dma_start3A_248 = arith.constant 0 : i32
      %dma_start3A_249 = tpu.memref_slice %arg9[%dma_start3A_246, %dma_start3A_247, %dma_start3A_248] : memref<2x128x128xf32, #tpu.memory_space<vmem>> -> memref<1x128x128xf32, #tpu.memory_space<vmem>>
      %dma_start3A_250 = tpu.memref_squeeze %dma_start3A_249 : memref<1x128x128xf32, #tpu.memory_space<vmem>> -> memref<128x128xf32, #tpu.memory_space<vmem>>
      %dma_start3A_251 = tpu.memref_slice %arg7[%mul3A_245] : memref<6400xi32, #tpu.memory_space<vmem>> -> memref<128xi32, #tpu.memory_space<vmem>>
      %dma_start3A_252 = arith.constant 0 : i32
      %dma_start3A_253 = arith.constant 0 : i32
      %dma_start3A_254 = tpu.memref_slice %arg2[%dma_start3A_252, %dma_start3A_253] : memref<100000x128xf32, #tpu.memory_space<hbm>> -> memref<100000x128xf32, #tpu.memory_space<hbm>>
      tpu.enqueue_indirect_dma source(%dma_start3A_254 : memref<100000x128xf32, #tpu.memory_space<hbm>>) target(%dma_start3A_250 : memref<128x128xf32, #tpu.memory_space<vmem>>) offsets(%dma_start3A_251 : memref<128xi32, #tpu.memory_space<vmem>>) semaphore(%arg13 : memref<!tpu.dma_semaphore, #tpu.memory_space<semaphore_mem>>)
      %mul3A_255 = arith.constant 128 : i32
      %mul3A_256 = arith.muli %add3A_243, %mul3A_255 : i32
      %dma_start3A_257 = arith.constant 0 : i32
      %dma_start3A_258 = arith.constant 0 : i32
      %dma_start3A_259 = arith.constant 0 : i32
      %dma_start3A_260 = tpu.memref_slice %arg10[%dma_start3A_257, %dma_start3A_258, %dma_start3A_259] : memref<2x128x128xf32, #tpu.memory_space<vmem>> -> memref<1x128x128xf32, #tpu.memory_space<vmem>>
      %dma_start3A_261 = tpu.memref_squeeze %dma_start3A_260 : memref<1x128x128xf32, #tpu.memory_space<vmem>> -> memref<128x128xf32, #tpu.memory_space<vmem>>
      %dma_start3A_262 = tpu.memref_slice %arg8[%mul3A_256] : memref<6400xi32, #tpu.memory_space<vmem>> -> memref<128xi32, #tpu.memory_space<vmem>>
      %dma_start3A_263 = arith.constant 0 : i32
      %dma_start3A_264 = arith.constant 0 : i32
      %dma_start3A_265 = tpu.memref_slice %arg12[%dma_start3A_263, %dma_start3A_264] : memref<640x128xf32, #tpu.memory_space<vmem_shared>> -> memref<640x128xf32, #tpu.memory_space<vmem_shared>>
      tpu.enqueue_indirect_dma source(%dma_start3A_265 : memref<640x128xf32, #tpu.memory_space<vmem_shared>>) target(%dma_start3A_261 : memref<128x128xf32, #tpu.memory_space<vmem>>) offsets(%dma_start3A_262 : memref<128xi32, #tpu.memory_space<vmem>>) semaphore(%arg15 : memref<!tpu.dma_semaphore, #tpu.memory_space<semaphore_mem>>)
      %mul3A_266 = arith.constant 128 : i32
      %mul3A_267 = arith.muli %add3A_209, %mul3A_266 : i32
      %add3A_268 = arith.addi %mul3A_2, %mul3A_267 : i32
      %dma_start3A_269 = arith.constant 0 : i32
      %dma_start3A_270 = arith.constant 0 : i32
      %dma_start3A_271 = arith.constant 0 : i32
      %dma_start3A_272 = tpu.memref_slice %arg11[%dma_start3A_269, %dma_start3A_270, %dma_start3A_271] : memref<2x128x128xf32, #tpu.memory_space<vmem>> -> memref<1x128x128xf32, #tpu.memory_space<vmem>>
      %dma_start3A_273 = tpu.memref_squeeze %dma_start3A_272 : memref<1x128x128xf32, #tpu.memory_space<vmem>> -> memref<128x128xf32, #tpu.memory_space<vmem>>
      %dma_start3A_274 = arith.constant 0 : i32
      %dma_start3A_275 = tpu.memref_slice %arg6[%add3A_268, %dma_start3A_274] : memref<204800x128xf32, #tpu.memory_space<hbm>> -> memref<128x128xf32, #tpu.memory_space<hbm>>
      %dma_start3A_276 = arith.constant 0 : i32
      %dma_start3A_277 = tpu.memref_slice %arg6[%add3A_268, %dma_start3A_276] : memref<204800x128xf32, #tpu.memory_space<hbm>> -> memref<128x128xf32, #tpu.memory_space<hbm>>
      %dma_start3A_278 = arith.constant 0 : i32
      %dma_start3A_279 = arith.constant 0 : i32
      %dma_start3A_280 = tpu.memref_slice %arg11[%dma_start3A_269, %dma_start3A_278, %dma_start3A_279] : memref<2x128x128xf32, #tpu.memory_space<vmem>> -> memref<1x128x128xf32, #tpu.memory_space<vmem>>
      %dma_start3A_281 = tpu.memref_squeeze %dma_start3A_280 : memref<1x128x128xf32, #tpu.memory_space<vmem>> -> memref<128x128xf32, #tpu.memory_space<vmem>>
      tpu.enqueue_dma source(%dma_start3A_281 : memref<128x128xf32, #tpu.memory_space<vmem>>) target(%dma_start3A_277 : memref<128x128xf32, #tpu.memory_space<hbm>>) target_semaphore(%arg17 : memref<!tpu.dma_semaphore, #tpu.memory_space<semaphore_mem>>)
      %mul3A_282 = arith.constant 2 : i32
      %mul3A_283 = arith.muli %mul3A_282, %add3A_205 : i32
      %add3A_284 = arith.constant 1 : i32
      %add3A_285 = arith.addi %mul3A_283, %add3A_284 : i32
      %mul3A_286 = arith.constant 128 : i32
      %mul3A_287 = arith.muli %add3A_285, %mul3A_286 : i32
      %dma_wait3A_288 = arith.constant 1 : i32
      %dma_wait3A_289 = arith.constant 0 : i32
      %dma_wait3A_290 = arith.constant 0 : i32
      %dma_wait3A_291 = tpu.memref_slice %arg9[%dma_wait3A_288, %dma_wait3A_289, %dma_wait3A_290] : memref<2x128x128xf32, #tpu.memory_space<vmem>> -> memref<1x128x128xf32, #tpu.memory_space<vmem>>
      %dma_wait3A_292 = tpu.memref_squeeze %dma_wait3A_291 : memref<1x128x128xf32, #tpu.memory_space<vmem>> -> memref<128x128xf32, #tpu.memory_space<vmem>>
      %dma_wait3A_293 = tpu.memref_slice %arg7[%mul3A_287] : memref<6400xi32, #tpu.memory_space<vmem>> -> memref<128xi32, #tpu.memory_space<vmem>>
      %dma_wait3A_294 = arith.constant 0 : i32
      %dma_wait3A_295 = arith.constant 0 : i32
      %dma_wait3A_296 = tpu.memref_slice %arg2[%dma_wait3A_294, %dma_wait3A_295] : memref<100000x128xf32, #tpu.memory_space<hbm>> -> memref<100000x128xf32, #tpu.memory_space<hbm>>
      tpu.wait_indirect_dma semaphore(%arg14 : memref<!tpu.dma_semaphore, #tpu.memory_space<semaphore_mem>>) src(%dma_wait3A_296 : memref<100000x128xf32, #tpu.memory_space<hbm>>) dst(%dma_wait3A_292 : memref<128x128xf32, #tpu.memory_space<vmem>>)
      %mul3A_297 = arith.constant 128 : i32
      %mul3A_298 = arith.muli %add3A_285, %mul3A_297 : i32
      %dma_wait3A_299 = arith.constant 1 : i32
      %dma_wait3A_300 = arith.constant 0 : i32
      %dma_wait3A_301 = arith.constant 0 : i32
      %dma_wait3A_302 = tpu.memref_slice %arg10[%dma_wait3A_299, %dma_wait3A_300, %dma_wait3A_301] : memref<2x128x128xf32, #tpu.memory_space<vmem>> -> memref<1x128x128xf32, #tpu.memory_space<vmem>>
      %dma_wait3A_303 = tpu.memref_squeeze %dma_wait3A_302 : memref<1x128x128xf32, #tpu.memory_space<vmem>> -> memref<128x128xf32, #tpu.memory_space<vmem>>
      %dma_wait3A_304 = tpu.memref_slice %arg8[%mul3A_298] : memref<6400xi32, #tpu.memory_space<vmem>> -> memref<128xi32, #tpu.memory_space<vmem>>
      %dma_wait3A_305 = arith.constant 0 : i32
      %dma_wait3A_306 = arith.constant 0 : i32
      %dma_wait3A_307 = tpu.memref_slice %arg12[%dma_wait3A_305, %dma_wait3A_306] : memref<640x128xf32, #tpu.memory_space<vmem_shared>> -> memref<640x128xf32, #tpu.memory_space<vmem_shared>>
      tpu.wait_indirect_dma semaphore(%arg16 : memref<!tpu.dma_semaphore, #tpu.memory_space<semaphore_mem>>) src(%dma_wait3A_307 : memref<640x128xf32, #tpu.memory_space<vmem_shared>>) dst(%dma_wait3A_303 : memref<128x128xf32, #tpu.memory_space<vmem>>)
      %ge3A_308 = arith.constant 2 : i32
      %ge3A_309 = arith.cmpi sge, %add3A_285, %ge3A_308 : i32
      %convert_element_type3A_310 = arith.extui %ge3A_309 : i1 to i32
      %cond3A_311 = arith.constant 0 : i32
      %cond3A_312 = arith.cmpi ne, %convert_element_type3A_310, %cond3A_311 : i32
      scf.if %cond3A_312 {
        %sub3A = arith.constant 2 : i32
        %sub3A_361 = arith.subi %add3A_285, %sub3A : i32
        %mul3A_362 = arith.constant 128 : i32
        %mul3A_363 = arith.muli %sub3A_361, %mul3A_362 : i32
        %add3A_364 = arith.addi %mul3A_2, %mul3A_363 : i32
        %dma_wait3A_365 = arith.constant 1 : i32
        %dma_wait3A_366 = arith.constant 0 : i32
        %dma_wait3A_367 = arith.constant 0 : i32
        %dma_wait3A_368 = tpu.memref_slice %arg11[%dma_wait3A_365, %dma_wait3A_366, %dma_wait3A_367] : memref<2x128x128xf32, #tpu.memory_space<vmem>> -> memref<1x128x128xf32, #tpu.memory_space<vmem>>
        %dma_wait3A_369 = tpu.memref_squeeze %dma_wait3A_368 : memref<1x128x128xf32, #tpu.memory_space<vmem>> -> memref<128x128xf32, #tpu.memory_space<vmem>>
        %dma_wait3A_370 = arith.constant 0 : i32
        %dma_wait3A_371 = tpu.memref_slice %arg6[%add3A_364, %dma_wait3A_370] : memref<204800x128xf32, #tpu.memory_space<hbm>> -> memref<128x128xf32, #tpu.memory_space<hbm>>
        %dma_wait3A_372 = arith.constant 0 : i32
        %dma_wait3A_373 = tpu.memref_slice %arg6[%add3A_364, %dma_wait3A_372] : memref<204800x128xf32, #tpu.memory_space<hbm>> -> memref<128x128xf32, #tpu.memory_space<hbm>>
        %dma_wait3A_374 = arith.constant 0 : i32
        %dma_wait3A_375 = arith.constant 0 : i32
        %dma_wait3A_376 = tpu.memref_slice %arg11[%dma_wait3A_365, %dma_wait3A_374, %dma_wait3A_375] : memref<2x128x128xf32, #tpu.memory_space<vmem>> -> memref<1x128x128xf32, #tpu.memory_space<vmem>>
        %dma_wait3A_377 = tpu.memref_squeeze %dma_wait3A_376 : memref<1x128x128xf32, #tpu.memory_space<vmem>> -> memref<128x128xf32, #tpu.memory_space<vmem>>
        tpu.wait_dma2 semaphore(%arg18 : memref<!tpu.dma_semaphore, #tpu.memory_space<semaphore_mem>>) src(%dma_wait3A_377 : memref<128x128xf32, #tpu.memory_space<vmem>>) dst(%dma_wait3A_373 : memref<128x128xf32, #tpu.memory_space<hbm>>)
      } else {
      }
      %scan3A_313 = arith.constant 1 : i32
      %scan3A_314 = arith.constant 1 : i32
      %scan3A_315 = arith.constant 1 : i32
      %scan3A_316 = arith.constant 0 : i32
      %scan3A_317 = arith.constant 128 : i32
      %scan3A_318 = arith.addi %scan3A_316, %scan3A_317 : i32
      %scan3A_319 = arith.constant 1 : i32
      scf.for %scan3A_361 = %scan3A_316 to %scan3A_318 step %scan3A_319  : i32 {
        %mul3A_362 = arith.constant 1 : i32
        %mul3A_363 = arith.muli %scan3A_361, %mul3A_362 : i32
        %add3A_364 = arith.constant 0 : i32
        %add3A_365 = arith.addi %add3A_364, %mul3A_363 : i32
        %get3A = arith.constant 0 : i32
        %get3A_366 = arith.constant 0 : i32
        %get3A_367 = tpu.memref_slice %arg9[%scan3A_313, %get3A, %get3A_366] : memref<2x128x128xf32, #tpu.memory_space<vmem>> -> memref<1x128x128xf32, #tpu.memory_space<vmem>>
        %get3A_368 = tpu.memref_squeeze %get3A_367 : memref<1x128x128xf32, #tpu.memory_space<vmem>> -> memref<128x128xf32, #tpu.memory_space<vmem>>
        %get3A_369 = arith.index_cast %add3A_365 : i32 to index
        %get3A_370 = arith.constant 0 : index
        %get3A_371 = tpu.vector_load %get3A_368[%get3A_369, %get3A_370] {strides = array<i32>} : memref<128x128xf32, #tpu.memory_space<vmem>>, vector<1x16xf32>,
        %get3A_372 = vector.shape_cast %get3A_371 : vector<1x16xf32> to vector<16xf32>
        %get3A_373 = arith.constant 0 : i32
        %get3A_374 = arith.constant 0 : i32
        %get3A_375 = tpu.memref_slice %arg10[%scan3A_314, %get3A_373, %get3A_374] : memref<2x128x128xf32, #tpu.memory_space<vmem>> -> memref<1x128x128xf32, #tpu.memory_space<vmem>>
        %get3A_376 = tpu.memref_squeeze %get3A_375 : memref<1x128x128xf32, #tpu.memory_space<vmem>> -> memref<128x128xf32, #tpu.memory_space<vmem>>
        %get3A_377 = arith.index_cast %add3A_365 : i32 to index
        %get3A_378 = arith.constant 0 : index
        %get3A_379 = tpu.vector_load %get3A_376[%get3A_377, %get3A_378] {strides = array<i32>} : memref<128x128xf32, #tpu.memory_space<vmem>>, vector<1x16xf32>,
        %get3A_380 = vector.shape_cast %get3A_379 : vector<1x16xf32> to vector<16xf32>
        %add3A_381 = arith.addf %get3A_372, %get3A_380 : vector<16xf32>
        %swap3A = arith.constant 0 : i32
        %swap3A_382 = arith.constant 0 : i32
        %swap3A_383 = tpu.memref_slice %arg11[%scan3A_315, %swap3A, %swap3A_382] : memref<2x128x128xf32, #tpu.memory_space<vmem>> -> memref<1x128x128xf32, #tpu.memory_space<vmem>>
        %swap3A_384 = tpu.memref_squeeze %swap3A_383 : memref<1x128x128xf32, #tpu.memory_space<vmem>> -> memref<128x128xf32, #tpu.memory_space<vmem>>
        %swap3A_385 = arith.index_cast %add3A_365 : i32 to index
        %swap3A_386 = arith.constant 0 : index
        %swap3A_387 = tpu.vector_load %swap3A_384[%swap3A_385, %swap3A_386] {strides = array<i32>} : memref<128x128xf32, #tpu.memory_space<vmem>>, vector<1x16xf32>,
        %swap3A_388 = vector.shape_cast %swap3A_387 : vector<1x16xf32> to vector<16xf32>
        %swap3A_389 = vector.shape_cast %add3A_381 : vector<16xf32> to vector<1x16xf32>
        tpu.vector_store %swap3A_384[%swap3A_385, %swap3A_386], %swap3A_389 {strides = array<i32>} : memref<128x128xf32, #tpu.memory_space<vmem>>, vector<1x16xf32>,
        %get3A_390 = arith.constant 0 : i32
        %get3A_391 = arith.constant 0 : i32
        %get3A_392 = tpu.memref_slice %arg9[%scan3A_313, %get3A_390, %get3A_391] : memref<2x128x128xf32, #tpu.memory_space<vmem>> -> memref<1x128x128xf32, #tpu.memory_space<vmem>>
        %get3A_393 = tpu.memref_squeeze %get3A_392 : memref<1x128x128xf32, #tpu.memory_space<vmem>> -> memref<128x128xf32, #tpu.memory_space<vmem>>
        %get3A_394 = arith.index_cast %add3A_365 : i32 to index
        %get3A_395 = arith.constant 16 : index
        %get3A_396 = tpu.vector_load %get3A_393[%get3A_394, %get3A_395] {strides = array<i32>} : memref<128x128xf32, #tpu.memory_space<vmem>>, vector<1x16xf32>,
        %get3A_397 = vector.shape_cast %get3A_396 : vector<1x16xf32> to vector<16xf32>
        %get3A_398 = arith.constant 0 : i32
        %get3A_399 = arith.constant 0 : i32
        %get3A_400 = tpu.memref_slice %arg10[%scan3A_314, %get3A_398, %get3A_399] : memref<2x128x128xf32, #tpu.memory_space<vmem>> -> memref<1x128x128xf32, #tpu.memory_space<vmem>>
        %get3A_401 = tpu.memref_squeeze %get3A_400 : memref<1x128x128xf32, #tpu.memory_space<vmem>> -> memref<128x128xf32, #tpu.memory_space<vmem>>
        %get3A_402 = arith.index_cast %add3A_365 : i32 to index
        %get3A_403 = arith.constant 16 : index
        %get3A_404 = tpu.vector_load %get3A_401[%get3A_402, %get3A_403] {strides = array<i32>} : memref<128x128xf32, #tpu.memory_space<vmem>>, vector<1x16xf32>,
        %get3A_405 = vector.shape_cast %get3A_404 : vector<1x16xf32> to vector<16xf32>
        %add3A_406 = arith.addf %get3A_397, %get3A_405 : vector<16xf32>
        %swap3A_407 = arith.constant 0 : i32
        %swap3A_408 = arith.constant 0 : i32
        %swap3A_409 = tpu.memref_slice %arg11[%scan3A_315, %swap3A_407, %swap3A_408] : memref<2x128x128xf32, #tpu.memory_space<vmem>> -> memref<1x128x128xf32, #tpu.memory_space<vmem>>
        %swap3A_410 = tpu.memref_squeeze %swap3A_409 : memref<1x128x128xf32, #tpu.memory_space<vmem>> -> memref<128x128xf32, #tpu.memory_space<vmem>>
        %swap3A_411 = arith.index_cast %add3A_365 : i32 to index
        %swap3A_412 = arith.constant 16 : index
        %swap3A_413 = tpu.vector_load %swap3A_410[%swap3A_411, %swap3A_412] {strides = array<i32>} : memref<128x128xf32, #tpu.memory_space<vmem>>, vector<1x16xf32>,
        %swap3A_414 = vector.shape_cast %swap3A_413 : vector<1x16xf32> to vector<16xf32>
        %swap3A_415 = vector.shape_cast %add3A_406 : vector<16xf32> to vector<1x16xf32>
        tpu.vector_store %swap3A_410[%swap3A_411, %swap3A_412], %swap3A_415 {strides = array<i32>} : memref<128x128xf32, #tpu.memory_space<vmem>>, vector<1x16xf32>,
        %get3A_416 = arith.constant 0 : i32
        %get3A_417 = arith.constant 0 : i32
        %get3A_418 = tpu.memref_slice %arg9[%scan3A_313, %get3A_416, %get3A_417] : memref<2x128x128xf32, #tpu.memory_space<vmem>> -> memref<1x128x128xf32, #tpu.memory_space<vmem>>
        %get3A_419 = tpu.memref_squeeze %get3A_418 : memref<1x128x128xf32, #tpu.memory_space<vmem>> -> memref<128x128xf32, #tpu.memory_space<vmem>>
        %get3A_420 = arith.index_cast %add3A_365 : i32 to index
        %get3A_421 = arith.constant 32 : index
        %get3A_422 = tpu.vector_load %get3A_419[%get3A_420, %get3A_421] {strides = array<i32>} : memref<128x128xf32, #tpu.memory_space<vmem>>, vector<1x16xf32>,
        %get3A_423 = vector.shape_cast %get3A_422 : vector<1x16xf32> to vector<16xf32>
        %get3A_424 = arith.constant 0 : i32
        %get3A_425 = arith.constant 0 : i32
        %get3A_426 = tpu.memref_slice %arg10[%scan3A_314, %get3A_424, %get3A_425] : memref<2x128x128xf32, #tpu.memory_space<vmem>> -> memref<1x128x128xf32, #tpu.memory_space<vmem>>
        %get3A_427 = tpu.memref_squeeze %get3A_426 : memref<1x128x128xf32, #tpu.memory_space<vmem>> -> memref<128x128xf32, #tpu.memory_space<vmem>>
        %get3A_428 = arith.index_cast %add3A_365 : i32 to index
        %get3A_429 = arith.constant 32 : index
        %get3A_430 = tpu.vector_load %get3A_427[%get3A_428, %get3A_429] {strides = array<i32>} : memref<128x128xf32, #tpu.memory_space<vmem>>, vector<1x16xf32>,
        %get3A_431 = vector.shape_cast %get3A_430 : vector<1x16xf32> to vector<16xf32>
        %add3A_432 = arith.addf %get3A_423, %get3A_431 : vector<16xf32>
        %swap3A_433 = arith.constant 0 : i32
        %swap3A_434 = arith.constant 0 : i32
        %swap3A_435 = tpu.memref_slice %arg11[%scan3A_315, %swap3A_433, %swap3A_434] : memref<2x128x128xf32, #tpu.memory_space<vmem>> -> memref<1x128x128xf32, #tpu.memory_space<vmem>>
        %swap3A_436 = tpu.memref_squeeze %swap3A_435 : memref<1x128x128xf32, #tpu.memory_space<vmem>> -> memref<128x128xf32, #tpu.memory_space<vmem>>
        %swap3A_437 = arith.index_cast %add3A_365 : i32 to index
        %swap3A_438 = arith.constant 32 : index
        %swap3A_439 = tpu.vector_load %swap3A_436[%swap3A_437, %swap3A_438] {strides = array<i32>} : memref<128x128xf32, #tpu.memory_space<vmem>>, vector<1x16xf32>,
        %swap3A_440 = vector.shape_cast %swap3A_439 : vector<1x16xf32> to vector<16xf32>
        %swap3A_441 = vector.shape_cast %add3A_432 : vector<16xf32> to vector<1x16xf32>
        tpu.vector_store %swap3A_436[%swap3A_437, %swap3A_438], %swap3A_441 {strides = array<i32>} : memref<128x128xf32, #tpu.memory_space<vmem>>, vector<1x16xf32>,
        %get3A_442 = arith.constant 0 : i32
        %get3A_443 = arith.constant 0 : i32
        %get3A_444 = tpu.memref_slice %arg9[%scan3A_313, %get3A_442, %get3A_443] : memref<2x128x128xf32, #tpu.memory_space<vmem>> -> memref<1x128x128xf32, #tpu.memory_space<vmem>>
        %get3A_445 = tpu.memref_squeeze %get3A_444 : memref<1x128x128xf32, #tpu.memory_space<vmem>> -> memref<128x128xf32, #tpu.memory_space<vmem>>
        %get3A_446 = arith.index_cast %add3A_365 : i32 to index
        %get3A_447 = arith.constant 48 : index
        %get3A_448 = tpu.vector_load %get3A_445[%get3A_446, %get3A_447] {strides = array<i32>} : memref<128x128xf32, #tpu.memory_space<vmem>>, vector<1x16xf32>,
        %get3A_449 = vector.shape_cast %get3A_448 : vector<1x16xf32> to vector<16xf32>
        %get3A_450 = arith.constant 0 : i32
        %get3A_451 = arith.constant 0 : i32
        %get3A_452 = tpu.memref_slice %arg10[%scan3A_314, %get3A_450, %get3A_451] : memref<2x128x128xf32, #tpu.memory_space<vmem>> -> memref<1x128x128xf32, #tpu.memory_space<vmem>>
        %get3A_453 = tpu.memref_squeeze %get3A_452 : memref<1x128x128xf32, #tpu.memory_space<vmem>> -> memref<128x128xf32, #tpu.memory_space<vmem>>
        %get3A_454 = arith.index_cast %add3A_365 : i32 to index
        %get3A_455 = arith.constant 48 : index
        %get3A_456 = tpu.vector_load %get3A_453[%get3A_454, %get3A_455] {strides = array<i32>} : memref<128x128xf32, #tpu.memory_space<vmem>>, vector<1x16xf32>,
        %get3A_457 = vector.shape_cast %get3A_456 : vector<1x16xf32> to vector<16xf32>
        %add3A_458 = arith.addf %get3A_449, %get3A_457 : vector<16xf32>
        %swap3A_459 = arith.constant 0 : i32
        %swap3A_460 = arith.constant 0 : i32
        %swap3A_461 = tpu.memref_slice %arg11[%scan3A_315, %swap3A_459, %swap3A_460] : memref<2x128x128xf32, #tpu.memory_space<vmem>> -> memref<1x128x128xf32, #tpu.memory_space<vmem>>
        %swap3A_462 = tpu.memref_squeeze %swap3A_461 : memref<1x128x128xf32, #tpu.memory_space<vmem>> -> memref<128x128xf32, #tpu.memory_space<vmem>>
        %swap3A_463 = arith.index_cast %add3A_365 : i32 to index
        %swap3A_464 = arith.constant 48 : index
        %swap3A_465 = tpu.vector_load %swap3A_462[%swap3A_463, %swap3A_464] {strides = array<i32>} : memref<128x128xf32, #tpu.memory_space<vmem>>, vector<1x16xf32>,
        %swap3A_466 = vector.shape_cast %swap3A_465 : vector<1x16xf32> to vector<16xf32>
        %swap3A_467 = vector.shape_cast %add3A_458 : vector<16xf32> to vector<1x16xf32>
        tpu.vector_store %swap3A_462[%swap3A_463, %swap3A_464], %swap3A_467 {strides = array<i32>} : memref<128x128xf32, #tpu.memory_space<vmem>>, vector<1x16xf32>,
        %get3A_468 = arith.constant 0 : i32
        %get3A_469 = arith.constant 0 : i32
        %get3A_470 = tpu.memref_slice %arg9[%scan3A_313, %get3A_468, %get3A_469] : memref<2x128x128xf32, #tpu.memory_space<vmem>> -> memref<1x128x128xf32, #tpu.memory_space<vmem>>
        %get3A_471 = tpu.memref_squeeze %get3A_470 : memref<1x128x128xf32, #tpu.memory_space<vmem>> -> memref<128x128xf32, #tpu.memory_space<vmem>>
        %get3A_472 = arith.index_cast %add3A_365 : i32 to index
        %get3A_473 = arith.constant 64 : index
        %get3A_474 = tpu.vector_load %get3A_471[%get3A_472, %get3A_473] {strides = array<i32>} : memref<128x128xf32, #tpu.memory_space<vmem>>, vector<1x16xf32>,
        %get3A_475 = vector.shape_cast %get3A_474 : vector<1x16xf32> to vector<16xf32>
        %get3A_476 = arith.constant 0 : i32
        %get3A_477 = arith.constant 0 : i32
        %get3A_478 = tpu.memref_slice %arg10[%scan3A_314, %get3A_476, %get3A_477] : memref<2x128x128xf32, #tpu.memory_space<vmem>> -> memref<1x128x128xf32, #tpu.memory_space<vmem>>
        %get3A_479 = tpu.memref_squeeze %get3A_478 : memref<1x128x128xf32, #tpu.memory_space<vmem>> -> memref<128x128xf32, #tpu.memory_space<vmem>>
        %get3A_480 = arith.index_cast %add3A_365 : i32 to index
        %get3A_481 = arith.constant 64 : index
        %get3A_482 = tpu.vector_load %get3A_479[%get3A_480, %get3A_481] {strides = array<i32>} : memref<128x128xf32, #tpu.memory_space<vmem>>, vector<1x16xf32>,
        %get3A_483 = vector.shape_cast %get3A_482 : vector<1x16xf32> to vector<16xf32>
        %add3A_484 = arith.addf %get3A_475, %get3A_483 : vector<16xf32>
        %swap3A_485 = arith.constant 0 : i32
        %swap3A_486 = arith.constant 0 : i32
        %swap3A_487 = tpu.memref_slice %arg11[%scan3A_315, %swap3A_485, %swap3A_486] : memref<2x128x128xf32, #tpu.memory_space<vmem>> -> memref<1x128x128xf32, #tpu.memory_space<vmem>>
        %swap3A_488 = tpu.memref_squeeze %swap3A_487 : memref<1x128x128xf32, #tpu.memory_space<vmem>> -> memref<128x128xf32, #tpu.memory_space<vmem>>
        %swap3A_489 = arith.index_cast %add3A_365 : i32 to index
        %swap3A_490 = arith.constant 64 : index
        %swap3A_491 = tpu.vector_load %swap3A_488[%swap3A_489, %swap3A_490] {strides = array<i32>} : memref<128x128xf32, #tpu.memory_space<vmem>>, vector<1x16xf32>,
        %swap3A_492 = vector.shape_cast %swap3A_491 : vector<1x16xf32> to vector<16xf32>
        %swap3A_493 = vector.shape_cast %add3A_484 : vector<16xf32> to vector<1x16xf32>
        tpu.vector_store %swap3A_488[%swap3A_489, %swap3A_490], %swap3A_493 {strides = array<i32>} : memref<128x128xf32, #tpu.memory_space<vmem>>, vector<1x16xf32>,
        %get3A_494 = arith.constant 0 : i32
        %get3A_495 = arith.constant 0 : i32
        %get3A_496 = tpu.memref_slice %arg9[%scan3A_313, %get3A_494, %get3A_495] : memref<2x128x128xf32, #tpu.memory_space<vmem>> -> memref<1x128x128xf32, #tpu.memory_space<vmem>>
        %get3A_497 = tpu.memref_squeeze %get3A_496 : memref<1x128x128xf32, #tpu.memory_space<vmem>> -> memref<128x128xf32, #tpu.memory_space<vmem>>
        %get3A_498 = arith.index_cast %add3A_365 : i32 to index
        %get3A_499 = arith.constant 80 : index
        %get3A_500 = tpu.vector_load %get3A_497[%get3A_498, %get3A_499] {strides = array<i32>} : memref<128x128xf32, #tpu.memory_space<vmem>>, vector<1x16xf32>,
        %get3A_501 = vector.shape_cast %get3A_500 : vector<1x16xf32> to vector<16xf32>
        %get3A_502 = arith.constant 0 : i32
        %get3A_503 = arith.constant 0 : i32
        %get3A_504 = tpu.memref_slice %arg10[%scan3A_314, %get3A_502, %get3A_503] : memref<2x128x128xf32, #tpu.memory_space<vmem>> -> memref<1x128x128xf32, #tpu.memory_space<vmem>>
        %get3A_505 = tpu.memref_squeeze %get3A_504 : memref<1x128x128xf32, #tpu.memory_space<vmem>> -> memref<128x128xf32, #tpu.memory_space<vmem>>
        %get3A_506 = arith.index_cast %add3A_365 : i32 to index
        %get3A_507 = arith.constant 80 : index
        %get3A_508 = tpu.vector_load %get3A_505[%get3A_506, %get3A_507] {strides = array<i32>} : memref<128x128xf32, #tpu.memory_space<vmem>>, vector<1x16xf32>,
        %get3A_509 = vector.shape_cast %get3A_508 : vector<1x16xf32> to vector<16xf32>
        %add3A_510 = arith.addf %get3A_501, %get3A_509 : vector<16xf32>
        %swap3A_511 = arith.constant 0 : i32
        %swap3A_512 = arith.constant 0 : i32
        %swap3A_513 = tpu.memref_slice %arg11[%scan3A_315, %swap3A_511, %swap3A_512] : memref<2x128x128xf32, #tpu.memory_space<vmem>> -> memref<1x128x128xf32, #tpu.memory_space<vmem>>
        %swap3A_514 = tpu.memref_squeeze %swap3A_513 : memref<1x128x128xf32, #tpu.memory_space<vmem>> -> memref<128x128xf32, #tpu.memory_space<vmem>>
        %swap3A_515 = arith.index_cast %add3A_365 : i32 to index
        %swap3A_516 = arith.constant 80 : index
        %swap3A_517 = tpu.vector_load %swap3A_514[%swap3A_515, %swap3A_516] {strides = array<i32>} : memref<128x128xf32, #tpu.memory_space<vmem>>, vector<1x16xf32>,
        %swap3A_518 = vector.shape_cast %swap3A_517 : vector<1x16xf32> to vector<16xf32>
        %swap3A_519 = vector.shape_cast %add3A_510 : vector<16xf32> to vector<1x16xf32>
        tpu.vector_store %swap3A_514[%swap3A_515, %swap3A_516], %swap3A_519 {strides = array<i32>} : memref<128x128xf32, #tpu.memory_space<vmem>>, vector<1x16xf32>,
        %get3A_520 = arith.constant 0 : i32
        %get3A_521 = arith.constant 0 : i32
        %get3A_522 = tpu.memref_slice %arg9[%scan3A_313, %get3A_520, %get3A_521] : memref<2x128x128xf32, #tpu.memory_space<vmem>> -> memref<1x128x128xf32, #tpu.memory_space<vmem>>
        %get3A_523 = tpu.memref_squeeze %get3A_522 : memref<1x128x128xf32, #tpu.memory_space<vmem>> -> memref<128x128xf32, #tpu.memory_space<vmem>>
        %get3A_524 = arith.index_cast %add3A_365 : i32 to index
        %get3A_525 = arith.constant 96 : index
        %get3A_526 = tpu.vector_load %get3A_523[%get3A_524, %get3A_525] {strides = array<i32>} : memref<128x128xf32, #tpu.memory_space<vmem>>, vector<1x16xf32>,
        %get3A_527 = vector.shape_cast %get3A_526 : vector<1x16xf32> to vector<16xf32>
        %get3A_528 = arith.constant 0 : i32
        %get3A_529 = arith.constant 0 : i32
        %get3A_530 = tpu.memref_slice %arg10[%scan3A_314, %get3A_528, %get3A_529] : memref<2x128x128xf32, #tpu.memory_space<vmem>> -> memref<1x128x128xf32, #tpu.memory_space<vmem>>
        %get3A_531 = tpu.memref_squeeze %get3A_530 : memref<1x128x128xf32, #tpu.memory_space<vmem>> -> memref<128x128xf32, #tpu.memory_space<vmem>>
        %get3A_532 = arith.index_cast %add3A_365 : i32 to index
        %get3A_533 = arith.constant 96 : index
        %get3A_534 = tpu.vector_load %get3A_531[%get3A_532, %get3A_533] {strides = array<i32>} : memref<128x128xf32, #tpu.memory_space<vmem>>, vector<1x16xf32>,
        %get3A_535 = vector.shape_cast %get3A_534 : vector<1x16xf32> to vector<16xf32>
        %add3A_536 = arith.addf %get3A_527, %get3A_535 : vector<16xf32>
        %swap3A_537 = arith.constant 0 : i32
        %swap3A_538 = arith.constant 0 : i32
        %swap3A_539 = tpu.memref_slice %arg11[%scan3A_315, %swap3A_537, %swap3A_538] : memref<2x128x128xf32, #tpu.memory_space<vmem>> -> memref<1x128x128xf32, #tpu.memory_space<vmem>>
        %swap3A_540 = tpu.memref_squeeze %swap3A_539 : memref<1x128x128xf32, #tpu.memory_space<vmem>> -> memref<128x128xf32, #tpu.memory_space<vmem>>
        %swap3A_541 = arith.index_cast %add3A_365 : i32 to index
        %swap3A_542 = arith.constant 96 : index
        %swap3A_543 = tpu.vector_load %swap3A_540[%swap3A_541, %swap3A_542] {strides = array<i32>} : memref<128x128xf32, #tpu.memory_space<vmem>>, vector<1x16xf32>,
        %swap3A_544 = vector.shape_cast %swap3A_543 : vector<1x16xf32> to vector<16xf32>
        %swap3A_545 = vector.shape_cast %add3A_536 : vector<16xf32> to vector<1x16xf32>
        tpu.vector_store %swap3A_540[%swap3A_541, %swap3A_542], %swap3A_545 {strides = array<i32>} : memref<128x128xf32, #tpu.memory_space<vmem>>, vector<1x16xf32>,
        %get3A_546 = arith.constant 0 : i32
        %get3A_547 = arith.constant 0 : i32
        %get3A_548 = tpu.memref_slice %arg9[%scan3A_313, %get3A_546, %get3A_547] : memref<2x128x128xf32, #tpu.memory_space<vmem>> -> memref<1x128x128xf32, #tpu.memory_space<vmem>>
        %get3A_549 = tpu.memref_squeeze %get3A_548 : memref<1x128x128xf32, #tpu.memory_space<vmem>> -> memref<128x128xf32, #tpu.memory_space<vmem>>
        %get3A_550 = arith.index_cast %add3A_365 : i32 to index
        %get3A_551 = arith.constant 112 : index
        %get3A_552 = tpu.vector_load %get3A_549[%get3A_550, %get3A_551] {strides = array<i32>} : memref<128x128xf32, #tpu.memory_space<vmem>>, vector<1x16xf32>,
        %get3A_553 = vector.shape_cast %get3A_552 : vector<1x16xf32> to vector<16xf32>
        %get3A_554 = arith.constant 0 : i32
        %get3A_555 = arith.constant 0 : i32
        %get3A_556 = tpu.memref_slice %arg10[%scan3A_314, %get3A_554, %get3A_555] : memref<2x128x128xf32, #tpu.memory_space<vmem>> -> memref<1x128x128xf32, #tpu.memory_space<vmem>>
        %get3A_557 = tpu.memref_squeeze %get3A_556 : memref<1x128x128xf32, #tpu.memory_space<vmem>> -> memref<128x128xf32, #tpu.memory_space<vmem>>
        %get3A_558 = arith.index_cast %add3A_365 : i32 to index
        %get3A_559 = arith.constant 112 : index
        %get3A_560 = tpu.vector_load %get3A_557[%get3A_558, %get3A_559] {strides = array<i32>} : memref<128x128xf32, #tpu.memory_space<vmem>>, vector<1x16xf32>,
        %get3A_561 = vector.shape_cast %get3A_560 : vector<1x16xf32> to vector<16xf32>
        %add3A_562 = arith.addf %get3A_553, %get3A_561 : vector<16xf32>
        %swap3A_563 = arith.constant 0 : i32
        %swap3A_564 = arith.constant 0 : i32
        %swap3A_565 = tpu.memref_slice %arg11[%scan3A_315, %swap3A_563, %swap3A_564] : memref<2x128x128xf32, #tpu.memory_space<vmem>> -> memref<1x128x128xf32, #tpu.memory_space<vmem>>
        %swap3A_566 = tpu.memref_squeeze %swap3A_565 : memref<1x128x128xf32, #tpu.memory_space<vmem>> -> memref<128x128xf32, #tpu.memory_space<vmem>>
        %swap3A_567 = arith.index_cast %add3A_365 : i32 to index
        %swap3A_568 = arith.constant 112 : index
        %swap3A_569 = tpu.vector_load %swap3A_566[%swap3A_567, %swap3A_568] {strides = array<i32>} : memref<128x128xf32, #tpu.memory_space<vmem>>, vector<1x16xf32>,
        %swap3A_570 = vector.shape_cast %swap3A_569 : vector<1x16xf32> to vector<16xf32>
        %swap3A_571 = vector.shape_cast %add3A_562 : vector<16xf32> to vector<1x16xf32>
        tpu.vector_store %swap3A_566[%swap3A_567, %swap3A_568], %swap3A_571 {strides = array<i32>} : memref<128x128xf32, #tpu.memory_space<vmem>>, vector<1x16xf32>,
      }
      %scan3A_320 = arith.constant 128 : i32
      %add3A_321 = arith.constant 2 : i32
      %add3A_322 = arith.addi %add3A_285, %add3A_321 : i32
      %mul3A_323 = arith.constant 128 : i32
      %mul3A_324 = arith.muli %add3A_322, %mul3A_323 : i32
      %dma_start3A_325 = arith.constant 1 : i32
      %dma_start3A_326 = arith.constant 0 : i32
      %dma_start3A_327 = arith.constant 0 : i32
      %dma_start3A_328 = tpu.memref_slice %arg9[%dma_start3A_325, %dma_start3A_326, %dma_start3A_327] : memref<2x128x128xf32, #tpu.memory_space<vmem>> -> memref<1x128x128xf32, #tpu.memory_space<vmem>>
      %dma_start3A_329 = tpu.memref_squeeze %dma_start3A_328 : memref<1x128x128xf32, #tpu.memory_space<vmem>> -> memref<128x128xf32, #tpu.memory_space<vmem>>
      %dma_start3A_330 = tpu.memref_slice %arg7[%mul3A_324] : memref<6400xi32, #tpu.memory_space<vmem>> -> memref<128xi32, #tpu.memory_space<vmem>>
      %dma_start3A_331 = arith.constant 0 : i32
      %dma_start3A_332 = arith.constant 0 : i32
      %dma_start3A_333 = tpu.memref_slice %arg2[%dma_start3A_331, %dma_start3A_332] : memref<100000x128xf32, #tpu.memory_space<hbm>> -> memref<100000x128xf32, #tpu.memory_space<hbm>>
      tpu.enqueue_indirect_dma source(%dma_start3A_333 : memref<100000x128xf32, #tpu.memory_space<hbm>>) target(%dma_start3A_329 : memref<128x128xf32, #tpu.memory_space<vmem>>) offsets(%dma_start3A_330 : memref<128xi32, #tpu.memory_space<vmem>>) semaphore(%arg14 : memref<!tpu.dma_semaphore, #tpu.memory_space<semaphore_mem>>)
      %mul3A_334 = arith.constant 128 : i32
      %mul3A_335 = arith.muli %add3A_322, %mul3A_334 : i32
      %dma_start3A_336 = arith.constant 1 : i32
      %dma_start3A_337 = arith.constant 0 : i32
      %dma_start3A_338 = arith.constant 0 : i32
      %dma_start3A_339 = tpu.memref_slice %arg10[%dma_start3A_336, %dma_start3A_337, %dma_start3A_338] : memref<2x128x128xf32, #tpu.memory_space<vmem>> -> memref<1x128x128xf32, #tpu.memory_space<vmem>>
      %dma_start3A_340 = tpu.memref_squeeze %dma_start3A_339 : memref<1x128x128xf32, #tpu.memory_space<vmem>> -> memref<128x128xf32, #tpu.memory_space<vmem>>
      %dma_start3A_341 = tpu.memref_slice %arg8[%mul3A_335] : memref<6400xi32, #tpu.memory_space<vmem>> -> memref<128xi32, #tpu.memory_space<vmem>>
      %dma_start3A_342 = arith.constant 0 : i32
      %dma_start3A_343 = arith.constant 0 : i32
      %dma_start3A_344 = tpu.memref_slice %arg12[%dma_start3A_342, %dma_start3A_343] : memref<640x128xf32, #tpu.memory_space<vmem_shared>> -> memref<640x128xf32, #tpu.memory_space<vmem_shared>>
      tpu.enqueue_indirect_dma source(%dma_start3A_344 : memref<640x128xf32, #tpu.memory_space<vmem_shared>>) target(%dma_start3A_340 : memref<128x128xf32, #tpu.memory_space<vmem>>) offsets(%dma_start3A_341 : memref<128xi32, #tpu.memory_space<vmem>>) semaphore(%arg16 : memref<!tpu.dma_semaphore, #tpu.memory_space<semaphore_mem>>)
      %mul3A_345 = arith.constant 128 : i32
      %mul3A_346 = arith.muli %add3A_285, %mul3A_345 : i32
      %add3A_347 = arith.addi %mul3A_2, %mul3A_346 : i32
      %dma_start3A_348 = arith.constant 1 : i32
      %dma_start3A_349 = arith.constant 0 : i32
      %dma_start3A_350 = arith.constant 0 : i32
      %dma_start3A_351 = tpu.memref_slice %arg11[%dma_start3A_348, %dma_start3A_349, %dma_start3A_350] : memref<2x128x128xf32, #tpu.memory_space<vmem>> -> memref<1x128x128xf32, #tpu.memory_space<vmem>>
      %dma_start3A_352 = tpu.memref_squeeze %dma_start3A_351 : memref<1x128x128xf32, #tpu.memory_space<vmem>> -> memref<128x128xf32, #tpu.memory_space<vmem>>
      %dma_start3A_353 = arith.constant 0 : i32
      %dma_start3A_354 = tpu.memref_slice %arg6[%add3A_347, %dma_start3A_353] : memref<204800x128xf32, #tpu.memory_space<hbm>> -> memref<128x128xf32, #tpu.memory_space<hbm>>
      %dma_start3A_355 = arith.constant 0 : i32
      %dma_start3A_356 = tpu.memref_slice %arg6[%add3A_347, %dma_start3A_355] : memref<204800x128xf32, #tpu.memory_space<hbm>> -> memref<128x128xf32, #tpu.memory_space<hbm>>
      %dma_start3A_357 = arith.constant 0 : i32
      %dma_start3A_358 = arith.constant 0 : i32
      %dma_start3A_359 = tpu.memref_slice %arg11[%dma_start3A_348, %dma_start3A_357, %dma_start3A_358] : memref<2x128x128xf32, #tpu.memory_space<vmem>> -> memref<1x128x128xf32, #tpu.memory_space<vmem>>
      %dma_start3A_360 = tpu.memref_squeeze %dma_start3A_359 : memref<1x128x128xf32, #tpu.memory_space<vmem>> -> memref<128x128xf32, #tpu.memory_space<vmem>>
      tpu.enqueue_dma source(%dma_start3A_360 : memref<128x128xf32, #tpu.memory_space<vmem>>) target(%dma_start3A_356 : memref<128x128xf32, #tpu.memory_space<hbm>>) target_semaphore(%arg18 : memref<!tpu.dma_semaphore, #tpu.memory_space<semaphore_mem>>)
    }
    %scan3A_55 = arith.constant 24 : i32
    %dma_wait3A = arith.constant 0 : i32
    %dma_wait3A_56 = arith.constant 0 : i32
    %dma_wait3A_57 = arith.constant 0 : i32
    %dma_wait3A_58 = tpu.memref_slice %arg9[%dma_wait3A, %dma_wait3A_56, %dma_wait3A_57] : memref<2x128x128xf32, #tpu.memory_space<vmem>> -> memref<1x128x128xf32, #tpu.memory_space<vmem>>
    %dma_wait3A_59 = tpu.memref_squeeze %dma_wait3A_58 : memref<1x128x128xf32, #tpu.memory_space<vmem>> -> memref<128x128xf32, #tpu.memory_space<vmem>>
    %dma_wait3A_60 = arith.constant 6144 : i32
    %dma_wait3A_61 = tpu.memref_slice %arg7[%dma_wait3A_60] : memref<6400xi32, #tpu.memory_space<vmem>> -> memref<128xi32, #tpu.memory_space<vmem>>
    %dma_wait3A_62 = arith.constant 0 : i32
    %dma_wait3A_63 = arith.constant 0 : i32
    %dma_wait3A_64 = tpu.memref_slice %arg2[%dma_wait3A_62, %dma_wait3A_63] : memref<100000x128xf32, #tpu.memory_space<hbm>> -> memref<100000x128xf32, #tpu.memory_space<hbm>>
    tpu.wait_indirect_dma semaphore(%arg13 : memref<!tpu.dma_semaphore, #tpu.memory_space<semaphore_mem>>) src(%dma_wait3A_64 : memref<100000x128xf32, #tpu.memory_space<hbm>>) dst(%dma_wait3A_59 : memref<128x128xf32, #tpu.memory_space<vmem>>)
    %dma_wait3A_65 = arith.constant 0 : i32
    %dma_wait3A_66 = arith.constant 0 : i32
    %dma_wait3A_67 = arith.constant 0 : i32
    %dma_wait3A_68 = tpu.memref_slice %arg10[%dma_wait3A_65, %dma_wait3A_66, %dma_wait3A_67] : memref<2x128x128xf32, #tpu.memory_space<vmem>> -> memref<1x128x128xf32, #tpu.memory_space<vmem>>
    %dma_wait3A_69 = tpu.memref_squeeze %dma_wait3A_68 : memref<1x128x128xf32, #tpu.memory_space<vmem>> -> memref<128x128xf32, #tpu.memory_space<vmem>>
    %dma_wait3A_70 = arith.constant 6144 : i32
    %dma_wait3A_71 = tpu.memref_slice %arg8[%dma_wait3A_70] : memref<6400xi32, #tpu.memory_space<vmem>> -> memref<128xi32, #tpu.memory_space<vmem>>
    %dma_wait3A_72 = arith.constant 0 : i32
    %dma_wait3A_73 = arith.constant 0 : i32
    %dma_wait3A_74 = tpu.memref_slice %arg12[%dma_wait3A_72, %dma_wait3A_73] : memref<640x128xf32, #tpu.memory_space<vmem_shared>> -> memref<640x128xf32, #tpu.memory_space<vmem_shared>>
    tpu.wait_indirect_dma semaphore(%arg15 : memref<!tpu.dma_semaphore, #tpu.memory_space<semaphore_mem>>) src(%dma_wait3A_74 : memref<640x128xf32, #tpu.memory_space<vmem_shared>>) dst(%dma_wait3A_69 : memref<128x128xf32, #tpu.memory_space<vmem>>)
    %add3A_75 = arith.constant 5888 : i32
    %add3A_76 = arith.addi %mul3A_2, %add3A_75 : i32
    %dma_wait3A_77 = arith.constant 0 : i32
    %dma_wait3A_78 = arith.constant 0 : i32
    %dma_wait3A_79 = arith.constant 0 : i32
    %dma_wait3A_80 = tpu.memref_slice %arg11[%dma_wait3A_77, %dma_wait3A_78, %dma_wait3A_79] : memref<2x128x128xf32, #tpu.memory_space<vmem>> -> memref<1x128x128xf32, #tpu.memory_space<vmem>>
    %dma_wait3A_81 = tpu.memref_squeeze %dma_wait3A_80 : memref<1x128x128xf32, #tpu.memory_space<vmem>> -> memref<128x128xf32, #tpu.memory_space<vmem>>
    %dma_wait3A_82 = arith.constant 0 : i32
    %dma_wait3A_83 = tpu.memref_slice %arg6[%add3A_76, %dma_wait3A_82] : memref<204800x128xf32, #tpu.memory_space<hbm>> -> memref<128x128xf32, #tpu.memory_space<hbm>>
    %dma_wait3A_84 = arith.constant 0 : i32
    %dma_wait3A_85 = tpu.memref_slice %arg6[%add3A_76, %dma_wait3A_84] : memref<204800x128xf32, #tpu.memory_space<hbm>> -> memref<128x128xf32, #tpu.memory_space<hbm>>
    %dma_wait3A_86 = arith.constant 0 : i32
    %dma_wait3A_87 = arith.constant 0 : i32
    %dma_wait3A_88 = tpu.memref_slice %arg11[%dma_wait3A_77, %dma_wait3A_86, %dma_wait3A_87] : memref<2x128x128xf32, #tpu.memory_space<vmem>> -> memref<1x128x128xf32, #tpu.memory_space<vmem>>
    %dma_wait3A_89 = tpu.memref_squeeze %dma_wait3A_88 : memref<1x128x128xf32, #tpu.memory_space<vmem>> -> memref<128x128xf32, #tpu.memory_space<vmem>>
    tpu.wait_dma2 semaphore(%arg17 : memref<!tpu.dma_semaphore, #tpu.memory_space<semaphore_mem>>) src(%dma_wait3A_89 : memref<128x128xf32, #tpu.memory_space<vmem>>) dst(%dma_wait3A_85 : memref<128x128xf32, #tpu.memory_space<hbm>>)
    %scan3A_90 = arith.constant 0 : i32
    %scan3A_91 = arith.constant 0 : i32
    %scan3A_92 = arith.constant 0 : i32
    %scan3A_93 = arith.constant 0 : i32
    %scan3A_94 = arith.constant 128 : i32
    %scan3A_95 = arith.addi %scan3A_93, %scan3A_94 : i32
    %scan3A_96 = arith.constant 1 : i32
    scf.for %scan3A_201 = %scan3A_93 to %scan3A_95 step %scan3A_96  : i32 {
      %mul3A_202 = arith.constant 1 : i32
      %mul3A_203 = arith.muli %scan3A_201, %mul3A_202 : i32
      %add3A_204 = arith.constant 0 : i32
      %add3A_205 = arith.addi %add3A_204, %mul3A_203 : i32
      %get3A = arith.constant 0 : i32
      %get3A_206 = arith.constant 0 : i32
      %get3A_207 = tpu.memref_slice %arg9[%scan3A_90, %get3A, %get3A_206] : memref<2x128x128xf32, #tpu.memory_space<vmem>> -> memref<1x128x128xf32, #tpu.memory_space<vmem>>
      %get3A_208 = tpu.memref_squeeze %get3A_207 : memref<1x128x128xf32, #tpu.memory_space<vmem>> -> memref<128x128xf32, #tpu.memory_space<vmem>>
      %get3A_209 = arith.index_cast %add3A_205 : i32 to index
      %get3A_210 = arith.constant 0 : index
      %get3A_211 = tpu.vector_load %get3A_208[%get3A_209, %get3A_210] {strides = array<i32>} : memref<128x128xf32, #tpu.memory_space<vmem>>, vector<1x16xf32>,
      %get3A_212 = vector.shape_cast %get3A_211 : vector<1x16xf32> to vector<16xf32>
      %get3A_213 = arith.constant 0 : i32
      %get3A_214 = arith.constant 0 : i32
      %get3A_215 = tpu.memref_slice %arg10[%scan3A_91, %get3A_213, %get3A_214] : memref<2x128x128xf32, #tpu.memory_space<vmem>> -> memref<1x128x128xf32, #tpu.memory_space<vmem>>
      %get3A_216 = tpu.memref_squeeze %get3A_215 : memref<1x128x128xf32, #tpu.memory_space<vmem>> -> memref<128x128xf32, #tpu.memory_space<vmem>>
      %get3A_217 = arith.index_cast %add3A_205 : i32 to index
      %get3A_218 = arith.constant 0 : index
      %get3A_219 = tpu.vector_load %get3A_216[%get3A_217, %get3A_218] {strides = array<i32>} : memref<128x128xf32, #tpu.memory_space<vmem>>, vector<1x16xf32>,
      %get3A_220 = vector.shape_cast %get3A_219 : vector<1x16xf32> to vector<16xf32>
      %add3A_221 = arith.addf %get3A_212, %get3A_220 : vector<16xf32>
      %swap3A = arith.constant 0 : i32
      %swap3A_222 = arith.constant 0 : i32
      %swap3A_223 = tpu.memref_slice %arg11[%scan3A_92, %swap3A, %swap3A_222] : memref<2x128x128xf32, #tpu.memory_space<vmem>> -> memref<1x128x128xf32, #tpu.memory_space<vmem>>
      %swap3A_224 = tpu.memref_squeeze %swap3A_223 : memref<1x128x128xf32, #tpu.memory_space<vmem>> -> memref<128x128xf32, #tpu.memory_space<vmem>>
      %swap3A_225 = arith.index_cast %add3A_205 : i32 to index
      %swap3A_226 = arith.constant 0 : index
      %swap3A_227 = tpu.vector_load %swap3A_224[%swap3A_225, %swap3A_226] {strides = array<i32>} : memref<128x128xf32, #tpu.memory_space<vmem>>, vector<1x16xf32>,
      %swap3A_228 = vector.shape_cast %swap3A_227 : vector<1x16xf32> to vector<16xf32>
      %swap3A_229 = vector.shape_cast %add3A_221 : vector<16xf32> to vector<1x16xf32>
      tpu.vector_store %swap3A_224[%swap3A_225, %swap3A_226], %swap3A_229 {strides = array<i32>} : memref<128x128xf32, #tpu.memory_space<vmem>>, vector<1x16xf32>,
      %get3A_230 = arith.constant 0 : i32
      %get3A_231 = arith.constant 0 : i32
      %get3A_232 = tpu.memref_slice %arg9[%scan3A_90, %get3A_230, %get3A_231] : memref<2x128x128xf32, #tpu.memory_space<vmem>> -> memref<1x128x128xf32, #tpu.memory_space<vmem>>
      %get3A_233 = tpu.memref_squeeze %get3A_232 : memref<1x128x128xf32, #tpu.memory_space<vmem>> -> memref<128x128xf32, #tpu.memory_space<vmem>>
      %get3A_234 = arith.index_cast %add3A_205 : i32 to index
      %get3A_235 = arith.constant 16 : index
      %get3A_236 = tpu.vector_load %get3A_233[%get3A_234, %get3A_235] {strides = array<i32>} : memref<128x128xf32, #tpu.memory_space<vmem>>, vector<1x16xf32>,
      %get3A_237 = vector.shape_cast %get3A_236 : vector<1x16xf32> to vector<16xf32>
      %get3A_238 = arith.constant 0 : i32
      %get3A_239 = arith.constant 0 : i32
      %get3A_240 = tpu.memref_slice %arg10[%scan3A_91, %get3A_238, %get3A_239] : memref<2x128x128xf32, #tpu.memory_space<vmem>> -> memref<1x128x128xf32, #tpu.memory_space<vmem>>
      %get3A_241 = tpu.memref_squeeze %get3A_240 : memref<1x128x128xf32, #tpu.memory_space<vmem>> -> memref<128x128xf32, #tpu.memory_space<vmem>>
      %get3A_242 = arith.index_cast %add3A_205 : i32 to index
      %get3A_243 = arith.constant 16 : index
      %get3A_244 = tpu.vector_load %get3A_241[%get3A_242, %get3A_243] {strides = array<i32>} : memref<128x128xf32, #tpu.memory_space<vmem>>, vector<1x16xf32>,
      %get3A_245 = vector.shape_cast %get3A_244 : vector<1x16xf32> to vector<16xf32>
      %add3A_246 = arith.addf %get3A_237, %get3A_245 : vector<16xf32>
      %swap3A_247 = arith.constant 0 : i32
      %swap3A_248 = arith.constant 0 : i32
      %swap3A_249 = tpu.memref_slice %arg11[%scan3A_92, %swap3A_247, %swap3A_248] : memref<2x128x128xf32, #tpu.memory_space<vmem>> -> memref<1x128x128xf32, #tpu.memory_space<vmem>>
      %swap3A_250 = tpu.memref_squeeze %swap3A_249 : memref<1x128x128xf32, #tpu.memory_space<vmem>> -> memref<128x128xf32, #tpu.memory_space<vmem>>
      %swap3A_251 = arith.index_cast %add3A_205 : i32 to index
      %swap3A_252 = arith.constant 16 : index
      %swap3A_253 = tpu.vector_load %swap3A_250[%swap3A_251, %swap3A_252] {strides = array<i32>} : memref<128x128xf32, #tpu.memory_space<vmem>>, vector<1x16xf32>,
      %swap3A_254 = vector.shape_cast %swap3A_253 : vector<1x16xf32> to vector<16xf32>
      %swap3A_255 = vector.shape_cast %add3A_246 : vector<16xf32> to vector<1x16xf32>
      tpu.vector_store %swap3A_250[%swap3A_251, %swap3A_252], %swap3A_255 {strides = array<i32>} : memref<128x128xf32, #tpu.memory_space<vmem>>, vector<1x16xf32>,
      %get3A_256 = arith.constant 0 : i32
      %get3A_257 = arith.constant 0 : i32
      %get3A_258 = tpu.memref_slice %arg9[%scan3A_90, %get3A_256, %get3A_257] : memref<2x128x128xf32, #tpu.memory_space<vmem>> -> memref<1x128x128xf32, #tpu.memory_space<vmem>>
      %get3A_259 = tpu.memref_squeeze %get3A_258 : memref<1x128x128xf32, #tpu.memory_space<vmem>> -> memref<128x128xf32, #tpu.memory_space<vmem>>
      %get3A_260 = arith.index_cast %add3A_205 : i32 to index
      %get3A_261 = arith.constant 32 : index
      %get3A_262 = tpu.vector_load %get3A_259[%get3A_260, %get3A_261] {strides = array<i32>} : memref<128x128xf32, #tpu.memory_space<vmem>>, vector<1x16xf32>,
      %get3A_263 = vector.shape_cast %get3A_262 : vector<1x16xf32> to vector<16xf32>
      %get3A_264 = arith.constant 0 : i32
      %get3A_265 = arith.constant 0 : i32
      %get3A_266 = tpu.memref_slice %arg10[%scan3A_91, %get3A_264, %get3A_265] : memref<2x128x128xf32, #tpu.memory_space<vmem>> -> memref<1x128x128xf32, #tpu.memory_space<vmem>>
      %get3A_267 = tpu.memref_squeeze %get3A_266 : memref<1x128x128xf32, #tpu.memory_space<vmem>> -> memref<128x128xf32, #tpu.memory_space<vmem>>
      %get3A_268 = arith.index_cast %add3A_205 : i32 to index
      %get3A_269 = arith.constant 32 : index
      %get3A_270 = tpu.vector_load %get3A_267[%get3A_268, %get3A_269] {strides = array<i32>} : memref<128x128xf32, #tpu.memory_space<vmem>>, vector<1x16xf32>,
      %get3A_271 = vector.shape_cast %get3A_270 : vector<1x16xf32> to vector<16xf32>
      %add3A_272 = arith.addf %get3A_263, %get3A_271 : vector<16xf32>
      %swap3A_273 = arith.constant 0 : i32
      %swap3A_274 = arith.constant 0 : i32
      %swap3A_275 = tpu.memref_slice %arg11[%scan3A_92, %swap3A_273, %swap3A_274] : memref<2x128x128xf32, #tpu.memory_space<vmem>> -> memref<1x128x128xf32, #tpu.memory_space<vmem>>
      %swap3A_276 = tpu.memref_squeeze %swap3A_275 : memref<1x128x128xf32, #tpu.memory_space<vmem>> -> memref<128x128xf32, #tpu.memory_space<vmem>>
      %swap3A_277 = arith.index_cast %add3A_205 : i32 to index
      %swap3A_278 = arith.constant 32 : index
      %swap3A_279 = tpu.vector_load %swap3A_276[%swap3A_277, %swap3A_278] {strides = array<i32>} : memref<128x128xf32, #tpu.memory_space<vmem>>, vector<1x16xf32>,
      %swap3A_280 = vector.shape_cast %swap3A_279 : vector<1x16xf32> to vector<16xf32>
      %swap3A_281 = vector.shape_cast %add3A_272 : vector<16xf32> to vector<1x16xf32>
      tpu.vector_store %swap3A_276[%swap3A_277, %swap3A_278], %swap3A_281 {strides = array<i32>} : memref<128x128xf32, #tpu.memory_space<vmem>>, vector<1x16xf32>,
      %get3A_282 = arith.constant 0 : i32
      %get3A_283 = arith.constant 0 : i32
      %get3A_284 = tpu.memref_slice %arg9[%scan3A_90, %get3A_282, %get3A_283] : memref<2x128x128xf32, #tpu.memory_space<vmem>> -> memref<1x128x128xf32, #tpu.memory_space<vmem>>
      %get3A_285 = tpu.memref_squeeze %get3A_284 : memref<1x128x128xf32, #tpu.memory_space<vmem>> -> memref<128x128xf32, #tpu.memory_space<vmem>>
      %get3A_286 = arith.index_cast %add3A_205 : i32 to index
      %get3A_287 = arith.constant 48 : index
      %get3A_288 = tpu.vector_load %get3A_285[%get3A_286, %get3A_287] {strides = array<i32>} : memref<128x128xf32, #tpu.memory_space<vmem>>, vector<1x16xf32>,
      %get3A_289 = vector.shape_cast %get3A_288 : vector<1x16xf32> to vector<16xf32>
      %get3A_290 = arith.constant 0 : i32
      %get3A_291 = arith.constant 0 : i32
      %get3A_292 = tpu.memref_slice %arg10[%scan3A_91, %get3A_290, %get3A_291] : memref<2x128x128xf32, #tpu.memory_space<vmem>> -> memref<1x128x128xf32, #tpu.memory_space<vmem>>
      %get3A_293 = tpu.memref_squeeze %get3A_292 : memref<1x128x128xf32, #tpu.memory_space<vmem>> -> memref<128x128xf32, #tpu.memory_space<vmem>>
      %get3A_294 = arith.index_cast %add3A_205 : i32 to index
      %get3A_295 = arith.constant 48 : index
      %get3A_296 = tpu.vector_load %get3A_293[%get3A_294, %get3A_295] {strides = array<i32>} : memref<128x128xf32, #tpu.memory_space<vmem>>, vector<1x16xf32>,
      %get3A_297 = vector.shape_cast %get3A_296 : vector<1x16xf32> to vector<16xf32>
      %add3A_298 = arith.addf %get3A_289, %get3A_297 : vector<16xf32>
      %swap3A_299 = arith.constant 0 : i32
      %swap3A_300 = arith.constant 0 : i32
      %swap3A_301 = tpu.memref_slice %arg11[%scan3A_92, %swap3A_299, %swap3A_300] : memref<2x128x128xf32, #tpu.memory_space<vmem>> -> memref<1x128x128xf32, #tpu.memory_space<vmem>>
      %swap3A_302 = tpu.memref_squeeze %swap3A_301 : memref<1x128x128xf32, #tpu.memory_space<vmem>> -> memref<128x128xf32, #tpu.memory_space<vmem>>
      %swap3A_303 = arith.index_cast %add3A_205 : i32 to index
      %swap3A_304 = arith.constant 48 : index
      %swap3A_305 = tpu.vector_load %swap3A_302[%swap3A_303, %swap3A_304] {strides = array<i32>} : memref<128x128xf32, #tpu.memory_space<vmem>>, vector<1x16xf32>,
      %swap3A_306 = vector.shape_cast %swap3A_305 : vector<1x16xf32> to vector<16xf32>
      %swap3A_307 = vector.shape_cast %add3A_298 : vector<16xf32> to vector<1x16xf32>
      tpu.vector_store %swap3A_302[%swap3A_303, %swap3A_304], %swap3A_307 {strides = array<i32>} : memref<128x128xf32, #tpu.memory_space<vmem>>, vector<1x16xf32>,
      %get3A_308 = arith.constant 0 : i32
      %get3A_309 = arith.constant 0 : i32
      %get3A_310 = tpu.memref_slice %arg9[%scan3A_90, %get3A_308, %get3A_309] : memref<2x128x128xf32, #tpu.memory_space<vmem>> -> memref<1x128x128xf32, #tpu.memory_space<vmem>>
      %get3A_311 = tpu.memref_squeeze %get3A_310 : memref<1x128x128xf32, #tpu.memory_space<vmem>> -> memref<128x128xf32, #tpu.memory_space<vmem>>
      %get3A_312 = arith.index_cast %add3A_205 : i32 to index
      %get3A_313 = arith.constant 64 : index
      %get3A_314 = tpu.vector_load %get3A_311[%get3A_312, %get3A_313] {strides = array<i32>} : memref<128x128xf32, #tpu.memory_space<vmem>>, vector<1x16xf32>,
      %get3A_315 = vector.shape_cast %get3A_314 : vector<1x16xf32> to vector<16xf32>
      %get3A_316 = arith.constant 0 : i32
      %get3A_317 = arith.constant 0 : i32
      %get3A_318 = tpu.memref_slice %arg10[%scan3A_91, %get3A_316, %get3A_317] : memref<2x128x128xf32, #tpu.memory_space<vmem>> -> memref<1x128x128xf32, #tpu.memory_space<vmem>>
      %get3A_319 = tpu.memref_squeeze %get3A_318 : memref<1x128x128xf32, #tpu.memory_space<vmem>> -> memref<128x128xf32, #tpu.memory_space<vmem>>
      %get3A_320 = arith.index_cast %add3A_205 : i32 to index
      %get3A_321 = arith.constant 64 : index
      %get3A_322 = tpu.vector_load %get3A_319[%get3A_320, %get3A_321] {strides = array<i32>} : memref<128x128xf32, #tpu.memory_space<vmem>>, vector<1x16xf32>,
      %get3A_323 = vector.shape_cast %get3A_322 : vector<1x16xf32> to vector<16xf32>
      %add3A_324 = arith.addf %get3A_315, %get3A_323 : vector<16xf32>
      %swap3A_325 = arith.constant 0 : i32
      %swap3A_326 = arith.constant 0 : i32
      %swap3A_327 = tpu.memref_slice %arg11[%scan3A_92, %swap3A_325, %swap3A_326] : memref<2x128x128xf32, #tpu.memory_space<vmem>> -> memref<1x128x128xf32, #tpu.memory_space<vmem>>
      %swap3A_328 = tpu.memref_squeeze %swap3A_327 : memref<1x128x128xf32, #tpu.memory_space<vmem>> -> memref<128x128xf32, #tpu.memory_space<vmem>>
      %swap3A_329 = arith.index_cast %add3A_205 : i32 to index
      %swap3A_330 = arith.constant 64 : index
      %swap3A_331 = tpu.vector_load %swap3A_328[%swap3A_329, %swap3A_330] {strides = array<i32>} : memref<128x128xf32, #tpu.memory_space<vmem>>, vector<1x16xf32>,
      %swap3A_332 = vector.shape_cast %swap3A_331 : vector<1x16xf32> to vector<16xf32>
      %swap3A_333 = vector.shape_cast %add3A_324 : vector<16xf32> to vector<1x16xf32>
      tpu.vector_store %swap3A_328[%swap3A_329, %swap3A_330], %swap3A_333 {strides = array<i32>} : memref<128x128xf32, #tpu.memory_space<vmem>>, vector<1x16xf32>,
      %get3A_334 = arith.constant 0 : i32
      %get3A_335 = arith.constant 0 : i32
      %get3A_336 = tpu.memref_slice %arg9[%scan3A_90, %get3A_334, %get3A_335] : memref<2x128x128xf32, #tpu.memory_space<vmem>> -> memref<1x128x128xf32, #tpu.memory_space<vmem>>
      %get3A_337 = tpu.memref_squeeze %get3A_336 : memref<1x128x128xf32, #tpu.memory_space<vmem>> -> memref<128x128xf32, #tpu.memory_space<vmem>>
      %get3A_338 = arith.index_cast %add3A_205 : i32 to index
      %get3A_339 = arith.constant 80 : index
      %get3A_340 = tpu.vector_load %get3A_337[%get3A_338, %get3A_339] {strides = array<i32>} : memref<128x128xf32, #tpu.memory_space<vmem>>, vector<1x16xf32>,
      %get3A_341 = vector.shape_cast %get3A_340 : vector<1x16xf32> to vector<16xf32>
      %get3A_342 = arith.constant 0 : i32
      %get3A_343 = arith.constant 0 : i32
      %get3A_344 = tpu.memref_slice %arg10[%scan3A_91, %get3A_342, %get3A_343] : memref<2x128x128xf32, #tpu.memory_space<vmem>> -> memref<1x128x128xf32, #tpu.memory_space<vmem>>
      %get3A_345 = tpu.memref_squeeze %get3A_344 : memref<1x128x128xf32, #tpu.memory_space<vmem>> -> memref<128x128xf32, #tpu.memory_space<vmem>>
      %get3A_346 = arith.index_cast %add3A_205 : i32 to index
      %get3A_347 = arith.constant 80 : index
      %get3A_348 = tpu.vector_load %get3A_345[%get3A_346, %get3A_347] {strides = array<i32>} : memref<128x128xf32, #tpu.memory_space<vmem>>, vector<1x16xf32>,
      %get3A_349 = vector.shape_cast %get3A_348 : vector<1x16xf32> to vector<16xf32>
      %add3A_350 = arith.addf %get3A_341, %get3A_349 : vector<16xf32>
      %swap3A_351 = arith.constant 0 : i32
      %swap3A_352 = arith.constant 0 : i32
      %swap3A_353 = tpu.memref_slice %arg11[%scan3A_92, %swap3A_351, %swap3A_352] : memref<2x128x128xf32, #tpu.memory_space<vmem>> -> memref<1x128x128xf32, #tpu.memory_space<vmem>>
      %swap3A_354 = tpu.memref_squeeze %swap3A_353 : memref<1x128x128xf32, #tpu.memory_space<vmem>> -> memref<128x128xf32, #tpu.memory_space<vmem>>
      %swap3A_355 = arith.index_cast %add3A_205 : i32 to index
      %swap3A_356 = arith.constant 80 : index
      %swap3A_357 = tpu.vector_load %swap3A_354[%swap3A_355, %swap3A_356] {strides = array<i32>} : memref<128x128xf32, #tpu.memory_space<vmem>>, vector<1x16xf32>,
      %swap3A_358 = vector.shape_cast %swap3A_357 : vector<1x16xf32> to vector<16xf32>
      %swap3A_359 = vector.shape_cast %add3A_350 : vector<16xf32> to vector<1x16xf32>
      tpu.vector_store %swap3A_354[%swap3A_355, %swap3A_356], %swap3A_359 {strides = array<i32>} : memref<128x128xf32, #tpu.memory_space<vmem>>, vector<1x16xf32>,
      %get3A_360 = arith.constant 0 : i32
      %get3A_361 = arith.constant 0 : i32
      %get3A_362 = tpu.memref_slice %arg9[%scan3A_90, %get3A_360, %get3A_361] : memref<2x128x128xf32, #tpu.memory_space<vmem>> -> memref<1x128x128xf32, #tpu.memory_space<vmem>>
      %get3A_363 = tpu.memref_squeeze %get3A_362 : memref<1x128x128xf32, #tpu.memory_space<vmem>> -> memref<128x128xf32, #tpu.memory_space<vmem>>
      %get3A_364 = arith.index_cast %add3A_205 : i32 to index
      %get3A_365 = arith.constant 96 : index
      %get3A_366 = tpu.vector_load %get3A_363[%get3A_364, %get3A_365] {strides = array<i32>} : memref<128x128xf32, #tpu.memory_space<vmem>>, vector<1x16xf32>,
      %get3A_367 = vector.shape_cast %get3A_366 : vector<1x16xf32> to vector<16xf32>
      %get3A_368 = arith.constant 0 : i32
      %get3A_369 = arith.constant 0 : i32
      %get3A_370 = tpu.memref_slice %arg10[%scan3A_91, %get3A_368, %get3A_369] : memref<2x128x128xf32, #tpu.memory_space<vmem>> -> memref<1x128x128xf32, #tpu.memory_space<vmem>>
      %get3A_371 = tpu.memref_squeeze %get3A_370 : memref<1x128x128xf32, #tpu.memory_space<vmem>> -> memref<128x128xf32, #tpu.memory_space<vmem>>
      %get3A_372 = arith.index_cast %add3A_205 : i32 to index
      %get3A_373 = arith.constant 96 : index
      %get3A_374 = tpu.vector_load %get3A_371[%get3A_372, %get3A_373] {strides = array<i32>} : memref<128x128xf32, #tpu.memory_space<vmem>>, vector<1x16xf32>,
      %get3A_375 = vector.shape_cast %get3A_374 : vector<1x16xf32> to vector<16xf32>
      %add3A_376 = arith.addf %get3A_367, %get3A_375 : vector<16xf32>
      %swap3A_377 = arith.constant 0 : i32
      %swap3A_378 = arith.constant 0 : i32
      %swap3A_379 = tpu.memref_slice %arg11[%scan3A_92, %swap3A_377, %swap3A_378] : memref<2x128x128xf32, #tpu.memory_space<vmem>> -> memref<1x128x128xf32, #tpu.memory_space<vmem>>
      %swap3A_380 = tpu.memref_squeeze %swap3A_379 : memref<1x128x128xf32, #tpu.memory_space<vmem>> -> memref<128x128xf32, #tpu.memory_space<vmem>>
      %swap3A_381 = arith.index_cast %add3A_205 : i32 to index
      %swap3A_382 = arith.constant 96 : index
      %swap3A_383 = tpu.vector_load %swap3A_380[%swap3A_381, %swap3A_382] {strides = array<i32>} : memref<128x128xf32, #tpu.memory_space<vmem>>, vector<1x16xf32>,
      %swap3A_384 = vector.shape_cast %swap3A_383 : vector<1x16xf32> to vector<16xf32>
      %swap3A_385 = vector.shape_cast %add3A_376 : vector<16xf32> to vector<1x16xf32>
      tpu.vector_store %swap3A_380[%swap3A_381, %swap3A_382], %swap3A_385 {strides = array<i32>} : memref<128x128xf32, #tpu.memory_space<vmem>>, vector<1x16xf32>,
      %get3A_386 = arith.constant 0 : i32
      %get3A_387 = arith.constant 0 : i32
      %get3A_388 = tpu.memref_slice %arg9[%scan3A_90, %get3A_386, %get3A_387] : memref<2x128x128xf32, #tpu.memory_space<vmem>> -> memref<1x128x128xf32, #tpu.memory_space<vmem>>
      %get3A_389 = tpu.memref_squeeze %get3A_388 : memref<1x128x128xf32, #tpu.memory_space<vmem>> -> memref<128x128xf32, #tpu.memory_space<vmem>>
      %get3A_390 = arith.index_cast %add3A_205 : i32 to index
      %get3A_391 = arith.constant 112 : index
      %get3A_392 = tpu.vector_load %get3A_389[%get3A_390, %get3A_391] {strides = array<i32>} : memref<128x128xf32, #tpu.memory_space<vmem>>, vector<1x16xf32>,
      %get3A_393 = vector.shape_cast %get3A_392 : vector<1x16xf32> to vector<16xf32>
      %get3A_394 = arith.constant 0 : i32
      %get3A_395 = arith.constant 0 : i32
      %get3A_396 = tpu.memref_slice %arg10[%scan3A_91, %get3A_394, %get3A_395] : memref<2x128x128xf32, #tpu.memory_space<vmem>> -> memref<1x128x128xf32, #tpu.memory_space<vmem>>
      %get3A_397 = tpu.memref_squeeze %get3A_396 : memref<1x128x128xf32, #tpu.memory_space<vmem>> -> memref<128x128xf32, #tpu.memory_space<vmem>>
      %get3A_398 = arith.index_cast %add3A_205 : i32 to index
      %get3A_399 = arith.constant 112 : index
      %get3A_400 = tpu.vector_load %get3A_397[%get3A_398, %get3A_399] {strides = array<i32>} : memref<128x128xf32, #tpu.memory_space<vmem>>, vector<1x16xf32>,
      %get3A_401 = vector.shape_cast %get3A_400 : vector<1x16xf32> to vector<16xf32>
      %add3A_402 = arith.addf %get3A_393, %get3A_401 : vector<16xf32>
      %swap3A_403 = arith.constant 0 : i32
      %swap3A_404 = arith.constant 0 : i32
      %swap3A_405 = tpu.memref_slice %arg11[%scan3A_92, %swap3A_403, %swap3A_404] : memref<2x128x128xf32, #tpu.memory_space<vmem>> -> memref<1x128x128xf32, #tpu.memory_space<vmem>>
      %swap3A_406 = tpu.memref_squeeze %swap3A_405 : memref<1x128x128xf32, #tpu.memory_space<vmem>> -> memref<128x128xf32, #tpu.memory_space<vmem>>
      %swap3A_407 = arith.index_cast %add3A_205 : i32 to index
      %swap3A_408 = arith.constant 112 : index
      %swap3A_409 = tpu.vector_load %swap3A_406[%swap3A_407, %swap3A_408] {strides = array<i32>} : memref<128x128xf32, #tpu.memory_space<vmem>>, vector<1x16xf32>,
      %swap3A_410 = vector.shape_cast %swap3A_409 : vector<1x16xf32> to vector<16xf32>
      %swap3A_411 = vector.shape_cast %add3A_402 : vector<16xf32> to vector<1x16xf32>
      tpu.vector_store %swap3A_406[%swap3A_407, %swap3A_408], %swap3A_411 {strides = array<i32>} : memref<128x128xf32, #tpu.memory_space<vmem>>, vector<1x16xf32>,
    }
    %scan3A_97 = arith.constant 128 : i32
    %add3A_98 = arith.constant 6144 : i32
    %add3A_99 = arith.addi %mul3A_2, %add3A_98 : i32
    %dma_start3A_100 = arith.constant 0 : i32
    %dma_start3A_101 = arith.constant 0 : i32
    %dma_start3A_102 = arith.constant 0 : i32
    %dma_start3A_103 = tpu.memref_slice %arg11[%dma_start3A_100, %dma_start3A_101, %dma_start3A_102] : memref<2x128x128xf32, #tpu.memory_space<vmem>> -> memref<1x128x128xf32, #tpu.memory_space<vmem>>
    %dma_start3A_104 = tpu.memref_squeeze %dma_start3A_103 : memref<1x128x128xf32, #tpu.memory_space<vmem>> -> memref<128x128xf32, #tpu.memory_space<vmem>>
    %dma_start3A_105 = arith.constant 0 : i32
    %dma_start3A_106 = tpu.memref_slice %arg6[%add3A_99, %dma_start3A_105] : memref<204800x128xf32, #tpu.memory_space<hbm>> -> memref<128x128xf32, #tpu.memory_space<hbm>>
    %dma_start3A_107 = arith.constant 0 : i32
    %dma_start3A_108 = tpu.memref_slice %arg6[%add3A_99, %dma_start3A_107] : memref<204800x128xf32, #tpu.memory_space<hbm>> -> memref<128x128xf32, #tpu.memory_space<hbm>>
    %dma_start3A_109 = arith.constant 0 : i32
    %dma_start3A_110 = arith.constant 0 : i32
    %dma_start3A_111 = tpu.memref_slice %arg11[%dma_start3A_100, %dma_start3A_109, %dma_start3A_110] : memref<2x128x128xf32, #tpu.memory_space<vmem>> -> memref<1x128x128xf32, #tpu.memory_space<vmem>>
    %dma_start3A_112 = tpu.memref_squeeze %dma_start3A_111 : memref<1x128x128xf32, #tpu.memory_space<vmem>> -> memref<128x128xf32, #tpu.memory_space<vmem>>
    tpu.enqueue_dma source(%dma_start3A_112 : memref<128x128xf32, #tpu.memory_space<vmem>>) target(%dma_start3A_108 : memref<128x128xf32, #tpu.memory_space<hbm>>) target_semaphore(%arg17 : memref<!tpu.dma_semaphore, #tpu.memory_space<semaphore_mem>>)
    %dma_wait3A_113 = arith.constant 1 : i32
    %dma_wait3A_114 = arith.constant 0 : i32
    %dma_wait3A_115 = arith.constant 0 : i32
    %dma_wait3A_116 = tpu.memref_slice %arg9[%dma_wait3A_113, %dma_wait3A_114, %dma_wait3A_115] : memref<2x128x128xf32, #tpu.memory_space<vmem>> -> memref<1x128x128xf32, #tpu.memory_space<vmem>>
    %dma_wait3A_117 = tpu.memref_squeeze %dma_wait3A_116 : memref<1x128x128xf32, #tpu.memory_space<vmem>> -> memref<128x128xf32, #tpu.memory_space<vmem>>
    %dma_wait3A_118 = arith.constant 6272 : i32
    %dma_wait3A_119 = tpu.memref_slice %arg7[%dma_wait3A_118] : memref<6400xi32, #tpu.memory_space<vmem>> -> memref<128xi32, #tpu.memory_space<vmem>>
    %dma_wait3A_120 = arith.constant 0 : i32
    %dma_wait3A_121 = arith.constant 0 : i32
    %dma_wait3A_122 = tpu.memref_slice %arg2[%dma_wait3A_120, %dma_wait3A_121] : memref<100000x128xf32, #tpu.memory_space<hbm>> -> memref<100000x128xf32, #tpu.memory_space<hbm>>
    tpu.wait_indirect_dma semaphore(%arg14 : memref<!tpu.dma_semaphore, #tpu.memory_space<semaphore_mem>>) src(%dma_wait3A_122 : memref<100000x128xf32, #tpu.memory_space<hbm>>) dst(%dma_wait3A_117 : memref<128x128xf32, #tpu.memory_space<vmem>>)
    %dma_wait3A_123 = arith.constant 1 : i32
    %dma_wait3A_124 = arith.constant 0 : i32
    %dma_wait3A_125 = arith.constant 0 : i32
    %dma_wait3A_126 = tpu.memref_slice %arg10[%dma_wait3A_123, %dma_wait3A_124, %dma_wait3A_125] : memref<2x128x128xf32, #tpu.memory_space<vmem>> -> memref<1x128x128xf32, #tpu.memory_space<vmem>>
    %dma_wait3A_127 = tpu.memref_squeeze %dma_wait3A_126 : memref<1x128x128xf32, #tpu.memory_space<vmem>> -> memref<128x128xf32, #tpu.memory_space<vmem>>
    %dma_wait3A_128 = arith.constant 6272 : i32
    %dma_wait3A_129 = tpu.memref_slice %arg8[%dma_wait3A_128] : memref<6400xi32, #tpu.memory_space<vmem>> -> memref<128xi32, #tpu.memory_space<vmem>>
    %dma_wait3A_130 = arith.constant 0 : i32
    %dma_wait3A_131 = arith.constant 0 : i32
    %dma_wait3A_132 = tpu.memref_slice %arg12[%dma_wait3A_130, %dma_wait3A_131] : memref<640x128xf32, #tpu.memory_space<vmem_shared>> -> memref<640x128xf32, #tpu.memory_space<vmem_shared>>
    tpu.wait_indirect_dma semaphore(%arg16 : memref<!tpu.dma_semaphore, #tpu.memory_space<semaphore_mem>>) src(%dma_wait3A_132 : memref<640x128xf32, #tpu.memory_space<vmem_shared>>) dst(%dma_wait3A_127 : memref<128x128xf32, #tpu.memory_space<vmem>>)
    %add3A_133 = arith.constant 6016 : i32
    %add3A_134 = arith.addi %mul3A_2, %add3A_133 : i32
    %dma_wait3A_135 = arith.constant 1 : i32
    %dma_wait3A_136 = arith.constant 0 : i32
    %dma_wait3A_137 = arith.constant 0 : i32
    %dma_wait3A_138 = tpu.memref_slice %arg11[%dma_wait3A_135, %dma_wait3A_136, %dma_wait3A_137] : memref<2x128x128xf32, #tpu.memory_space<vmem>> -> memref<1x128x128xf32, #tpu.memory_space<vmem>>
    %dma_wait3A_139 = tpu.memref_squeeze %dma_wait3A_138 : memref<1x128x128xf32, #tpu.memory_space<vmem>> -> memref<128x128xf32, #tpu.memory_space<vmem>>
    %dma_wait3A_140 = arith.constant 0 : i32
    %dma_wait3A_141 = tpu.memref_slice %arg6[%add3A_134, %dma_wait3A_140] : memref<204800x128xf32, #tpu.memory_space<hbm>> -> memref<128x128xf32, #tpu.memory_space<hbm>>
    %dma_wait3A_142 = arith.constant 0 : i32
    %dma_wait3A_143 = tpu.memref_slice %arg6[%add3A_134, %dma_wait3A_142] : memref<204800x128xf32, #tpu.memory_space<hbm>> -> memref<128x128xf32, #tpu.memory_space<hbm>>
    %dma_wait3A_144 = arith.constant 0 : i32
    %dma_wait3A_145 = arith.constant 0 : i32
    %dma_wait3A_146 = tpu.memref_slice %arg11[%dma_wait3A_135, %dma_wait3A_144, %dma_wait3A_145] : memref<2x128x128xf32, #tpu.memory_space<vmem>> -> memref<1x128x128xf32, #tpu.memory_space<vmem>>
    %dma_wait3A_147 = tpu.memref_squeeze %dma_wait3A_146 : memref<1x128x128xf32, #tpu.memory_space<vmem>> -> memref<128x128xf32, #tpu.memory_space<vmem>>
    tpu.wait_dma2 semaphore(%arg18 : memref<!tpu.dma_semaphore, #tpu.memory_space<semaphore_mem>>) src(%dma_wait3A_147 : memref<128x128xf32, #tpu.memory_space<vmem>>) dst(%dma_wait3A_143 : memref<128x128xf32, #tpu.memory_space<hbm>>)
    %scan3A_148 = arith.constant 1 : i32
    %scan3A_149 = arith.constant 1 : i32
    %scan3A_150 = arith.constant 1 : i32
    %scan3A_151 = arith.constant 0 : i32
    %scan3A_152 = arith.constant 128 : i32
    %scan3A_153 = arith.addi %scan3A_151, %scan3A_152 : i32
    %scan3A_154 = arith.constant 1 : i32
    scf.for %scan3A_201 = %scan3A_151 to %scan3A_153 step %scan3A_154  : i32 {
      %mul3A_202 = arith.constant 1 : i32
      %mul3A_203 = arith.muli %scan3A_201, %mul3A_202 : i32
      %add3A_204 = arith.constant 0 : i32
      %add3A_205 = arith.addi %add3A_204, %mul3A_203 : i32
      %get3A = arith.constant 0 : i32
      %get3A_206 = arith.constant 0 : i32
      %get3A_207 = tpu.memref_slice %arg9[%scan3A_148, %get3A, %get3A_206] : memref<2x128x128xf32, #tpu.memory_space<vmem>> -> memref<1x128x128xf32, #tpu.memory_space<vmem>>
      %get3A_208 = tpu.memref_squeeze %get3A_207 : memref<1x128x128xf32, #tpu.memory_space<vmem>> -> memref<128x128xf32, #tpu.memory_space<vmem>>
      %get3A_209 = arith.index_cast %add3A_205 : i32 to index
      %get3A_210 = arith.constant 0 : index
      %get3A_211 = tpu.vector_load %get3A_208[%get3A_209, %get3A_210] {strides = array<i32>} : memref<128x128xf32, #tpu.memory_space<vmem>>, vector<1x16xf32>,
      %get3A_212 = vector.shape_cast %get3A_211 : vector<1x16xf32> to vector<16xf32>
      %get3A_213 = arith.constant 0 : i32
      %get3A_214 = arith.constant 0 : i32
      %get3A_215 = tpu.memref_slice %arg10[%scan3A_149, %get3A_213, %get3A_214] : memref<2x128x128xf32, #tpu.memory_space<vmem>> -> memref<1x128x128xf32, #tpu.memory_space<vmem>>
      %get3A_216 = tpu.memref_squeeze %get3A_215 : memref<1x128x128xf32, #tpu.memory_space<vmem>> -> memref<128x128xf32, #tpu.memory_space<vmem>>
      %get3A_217 = arith.index_cast %add3A_205 : i32 to index
      %get3A_218 = arith.constant 0 : index
      %get3A_219 = tpu.vector_load %get3A_216[%get3A_217, %get3A_218] {strides = array<i32>} : memref<128x128xf32, #tpu.memory_space<vmem>>, vector<1x16xf32>,
      %get3A_220 = vector.shape_cast %get3A_219 : vector<1x16xf32> to vector<16xf32>
      %add3A_221 = arith.addf %get3A_212, %get3A_220 : vector<16xf32>
      %swap3A = arith.constant 0 : i32
      %swap3A_222 = arith.constant 0 : i32
      %swap3A_223 = tpu.memref_slice %arg11[%scan3A_150, %swap3A, %swap3A_222] : memref<2x128x128xf32, #tpu.memory_space<vmem>> -> memref<1x128x128xf32, #tpu.memory_space<vmem>>
      %swap3A_224 = tpu.memref_squeeze %swap3A_223 : memref<1x128x128xf32, #tpu.memory_space<vmem>> -> memref<128x128xf32, #tpu.memory_space<vmem>>
      %swap3A_225 = arith.index_cast %add3A_205 : i32 to index
      %swap3A_226 = arith.constant 0 : index
      %swap3A_227 = tpu.vector_load %swap3A_224[%swap3A_225, %swap3A_226] {strides = array<i32>} : memref<128x128xf32, #tpu.memory_space<vmem>>, vector<1x16xf32>,
      %swap3A_228 = vector.shape_cast %swap3A_227 : vector<1x16xf32> to vector<16xf32>
      %swap3A_229 = vector.shape_cast %add3A_221 : vector<16xf32> to vector<1x16xf32>
      tpu.vector_store %swap3A_224[%swap3A_225, %swap3A_226], %swap3A_229 {strides = array<i32>} : memref<128x128xf32, #tpu.memory_space<vmem>>, vector<1x16xf32>,
      %get3A_230 = arith.constant 0 : i32
      %get3A_231 = arith.constant 0 : i32
      %get3A_232 = tpu.memref_slice %arg9[%scan3A_148, %get3A_230, %get3A_231] : memref<2x128x128xf32, #tpu.memory_space<vmem>> -> memref<1x128x128xf32, #tpu.memory_space<vmem>>
      %get3A_233 = tpu.memref_squeeze %get3A_232 : memref<1x128x128xf32, #tpu.memory_space<vmem>> -> memref<128x128xf32, #tpu.memory_space<vmem>>
      %get3A_234 = arith.index_cast %add3A_205 : i32 to index
      %get3A_235 = arith.constant 16 : index
      %get3A_236 = tpu.vector_load %get3A_233[%get3A_234, %get3A_235] {strides = array<i32>} : memref<128x128xf32, #tpu.memory_space<vmem>>, vector<1x16xf32>,
      %get3A_237 = vector.shape_cast %get3A_236 : vector<1x16xf32> to vector<16xf32>
      %get3A_238 = arith.constant 0 : i32
      %get3A_239 = arith.constant 0 : i32
      %get3A_240 = tpu.memref_slice %arg10[%scan3A_149, %get3A_238, %get3A_239] : memref<2x128x128xf32, #tpu.memory_space<vmem>> -> memref<1x128x128xf32, #tpu.memory_space<vmem>>
      %get3A_241 = tpu.memref_squeeze %get3A_240 : memref<1x128x128xf32, #tpu.memory_space<vmem>> -> memref<128x128xf32, #tpu.memory_space<vmem>>
      %get3A_242 = arith.index_cast %add3A_205 : i32 to index
      %get3A_243 = arith.constant 16 : index
      %get3A_244 = tpu.vector_load %get3A_241[%get3A_242, %get3A_243] {strides = array<i32>} : memref<128x128xf32, #tpu.memory_space<vmem>>, vector<1x16xf32>,
      %get3A_245 = vector.shape_cast %get3A_244 : vector<1x16xf32> to vector<16xf32>
      %add3A_246 = arith.addf %get3A_237, %get3A_245 : vector<16xf32>
      %swap3A_247 = arith.constant 0 : i32
      %swap3A_248 = arith.constant 0 : i32
      %swap3A_249 = tpu.memref_slice %arg11[%scan3A_150, %swap3A_247, %swap3A_248] : memref<2x128x128xf32, #tpu.memory_space<vmem>> -> memref<1x128x128xf32, #tpu.memory_space<vmem>>
      %swap3A_250 = tpu.memref_squeeze %swap3A_249 : memref<1x128x128xf32, #tpu.memory_space<vmem>> -> memref<128x128xf32, #tpu.memory_space<vmem>>
      %swap3A_251 = arith.index_cast %add3A_205 : i32 to index
      %swap3A_252 = arith.constant 16 : index
      %swap3A_253 = tpu.vector_load %swap3A_250[%swap3A_251, %swap3A_252] {strides = array<i32>} : memref<128x128xf32, #tpu.memory_space<vmem>>, vector<1x16xf32>,
      %swap3A_254 = vector.shape_cast %swap3A_253 : vector<1x16xf32> to vector<16xf32>
      %swap3A_255 = vector.shape_cast %add3A_246 : vector<16xf32> to vector<1x16xf32>
      tpu.vector_store %swap3A_250[%swap3A_251, %swap3A_252], %swap3A_255 {strides = array<i32>} : memref<128x128xf32, #tpu.memory_space<vmem>>, vector<1x16xf32>,
      %get3A_256 = arith.constant 0 : i32
      %get3A_257 = arith.constant 0 : i32
      %get3A_258 = tpu.memref_slice %arg9[%scan3A_148, %get3A_256, %get3A_257] : memref<2x128x128xf32, #tpu.memory_space<vmem>> -> memref<1x128x128xf32, #tpu.memory_space<vmem>>
      %get3A_259 = tpu.memref_squeeze %get3A_258 : memref<1x128x128xf32, #tpu.memory_space<vmem>> -> memref<128x128xf32, #tpu.memory_space<vmem>>
      %get3A_260 = arith.index_cast %add3A_205 : i32 to index
      %get3A_261 = arith.constant 32 : index
      %get3A_262 = tpu.vector_load %get3A_259[%get3A_260, %get3A_261] {strides = array<i32>} : memref<128x128xf32, #tpu.memory_space<vmem>>, vector<1x16xf32>,
      %get3A_263 = vector.shape_cast %get3A_262 : vector<1x16xf32> to vector<16xf32>
      %get3A_264 = arith.constant 0 : i32
      %get3A_265 = arith.constant 0 : i32
      %get3A_266 = tpu.memref_slice %arg10[%scan3A_149, %get3A_264, %get3A_265] : memref<2x128x128xf32, #tpu.memory_space<vmem>> -> memref<1x128x128xf32, #tpu.memory_space<vmem>>
      %get3A_267 = tpu.memref_squeeze %get3A_266 : memref<1x128x128xf32, #tpu.memory_space<vmem>> -> memref<128x128xf32, #tpu.memory_space<vmem>>
      %get3A_268 = arith.index_cast %add3A_205 : i32 to index
      %get3A_269 = arith.constant 32 : index
      %get3A_270 = tpu.vector_load %get3A_267[%get3A_268, %get3A_269] {strides = array<i32>} : memref<128x128xf32, #tpu.memory_space<vmem>>, vector<1x16xf32>,
      %get3A_271 = vector.shape_cast %get3A_270 : vector<1x16xf32> to vector<16xf32>
      %add3A_272 = arith.addf %get3A_263, %get3A_271 : vector<16xf32>
      %swap3A_273 = arith.constant 0 : i32
      %swap3A_274 = arith.constant 0 : i32
      %swap3A_275 = tpu.memref_slice %arg11[%scan3A_150, %swap3A_273, %swap3A_274] : memref<2x128x128xf32, #tpu.memory_space<vmem>> -> memref<1x128x128xf32, #tpu.memory_space<vmem>>
      %swap3A_276 = tpu.memref_squeeze %swap3A_275 : memref<1x128x128xf32, #tpu.memory_space<vmem>> -> memref<128x128xf32, #tpu.memory_space<vmem>>
      %swap3A_277 = arith.index_cast %add3A_205 : i32 to index
      %swap3A_278 = arith.constant 32 : index
      %swap3A_279 = tpu.vector_load %swap3A_276[%swap3A_277, %swap3A_278] {strides = array<i32>} : memref<128x128xf32, #tpu.memory_space<vmem>>, vector<1x16xf32>,
      %swap3A_280 = vector.shape_cast %swap3A_279 : vector<1x16xf32> to vector<16xf32>
      %swap3A_281 = vector.shape_cast %add3A_272 : vector<16xf32> to vector<1x16xf32>
      tpu.vector_store %swap3A_276[%swap3A_277, %swap3A_278], %swap3A_281 {strides = array<i32>} : memref<128x128xf32, #tpu.memory_space<vmem>>, vector<1x16xf32>,
      %get3A_282 = arith.constant 0 : i32
      %get3A_283 = arith.constant 0 : i32
      %get3A_284 = tpu.memref_slice %arg9[%scan3A_148, %get3A_282, %get3A_283] : memref<2x128x128xf32, #tpu.memory_space<vmem>> -> memref<1x128x128xf32, #tpu.memory_space<vmem>>
      %get3A_285 = tpu.memref_squeeze %get3A_284 : memref<1x128x128xf32, #tpu.memory_space<vmem>> -> memref<128x128xf32, #tpu.memory_space<vmem>>
      %get3A_286 = arith.index_cast %add3A_205 : i32 to index
      %get3A_287 = arith.constant 48 : index
      %get3A_288 = tpu.vector_load %get3A_285[%get3A_286, %get3A_287] {strides = array<i32>} : memref<128x128xf32, #tpu.memory_space<vmem>>, vector<1x16xf32>,
      %get3A_289 = vector.shape_cast %get3A_288 : vector<1x16xf32> to vector<16xf32>
      %get3A_290 = arith.constant 0 : i32
      %get3A_291 = arith.constant 0 : i32
      %get3A_292 = tpu.memref_slice %arg10[%scan3A_149, %get3A_290, %get3A_291] : memref<2x128x128xf32, #tpu.memory_space<vmem>> -> memref<1x128x128xf32, #tpu.memory_space<vmem>>
      %get3A_293 = tpu.memref_squeeze %get3A_292 : memref<1x128x128xf32, #tpu.memory_space<vmem>> -> memref<128x128xf32, #tpu.memory_space<vmem>>
      %get3A_294 = arith.index_cast %add3A_205 : i32 to index
      %get3A_295 = arith.constant 48 : index
      %get3A_296 = tpu.vector_load %get3A_293[%get3A_294, %get3A_295] {strides = array<i32>} : memref<128x128xf32, #tpu.memory_space<vmem>>, vector<1x16xf32>,
      %get3A_297 = vector.shape_cast %get3A_296 : vector<1x16xf32> to vector<16xf32>
      %add3A_298 = arith.addf %get3A_289, %get3A_297 : vector<16xf32>
      %swap3A_299 = arith.constant 0 : i32
      %swap3A_300 = arith.constant 0 : i32
      %swap3A_301 = tpu.memref_slice %arg11[%scan3A_150, %swap3A_299, %swap3A_300] : memref<2x128x128xf32, #tpu.memory_space<vmem>> -> memref<1x128x128xf32, #tpu.memory_space<vmem>>
      %swap3A_302 = tpu.memref_squeeze %swap3A_301 : memref<1x128x128xf32, #tpu.memory_space<vmem>> -> memref<128x128xf32, #tpu.memory_space<vmem>>
      %swap3A_303 = arith.index_cast %add3A_205 : i32 to index
      %swap3A_304 = arith.constant 48 : index
      %swap3A_305 = tpu.vector_load %swap3A_302[%swap3A_303, %swap3A_304] {strides = array<i32>} : memref<128x128xf32, #tpu.memory_space<vmem>>, vector<1x16xf32>,
      %swap3A_306 = vector.shape_cast %swap3A_305 : vector<1x16xf32> to vector<16xf32>
      %swap3A_307 = vector.shape_cast %add3A_298 : vector<16xf32> to vector<1x16xf32>
      tpu.vector_store %swap3A_302[%swap3A_303, %swap3A_304], %swap3A_307 {strides = array<i32>} : memref<128x128xf32, #tpu.memory_space<vmem>>, vector<1x16xf32>,
      %get3A_308 = arith.constant 0 : i32
      %get3A_309 = arith.constant 0 : i32
      %get3A_310 = tpu.memref_slice %arg9[%scan3A_148, %get3A_308, %get3A_309] : memref<2x128x128xf32, #tpu.memory_space<vmem>> -> memref<1x128x128xf32, #tpu.memory_space<vmem>>
      %get3A_311 = tpu.memref_squeeze %get3A_310 : memref<1x128x128xf32, #tpu.memory_space<vmem>> -> memref<128x128xf32, #tpu.memory_space<vmem>>
      %get3A_312 = arith.index_cast %add3A_205 : i32 to index
      %get3A_313 = arith.constant 64 : index
      %get3A_314 = tpu.vector_load %get3A_311[%get3A_312, %get3A_313] {strides = array<i32>} : memref<128x128xf32, #tpu.memory_space<vmem>>, vector<1x16xf32>,
      %get3A_315 = vector.shape_cast %get3A_314 : vector<1x16xf32> to vector<16xf32>
      %get3A_316 = arith.constant 0 : i32
      %get3A_317 = arith.constant 0 : i32
      %get3A_318 = tpu.memref_slice %arg10[%scan3A_149, %get3A_316, %get3A_317] : memref<2x128x128xf32, #tpu.memory_space<vmem>> -> memref<1x128x128xf32, #tpu.memory_space<vmem>>
      %get3A_319 = tpu.memref_squeeze %get3A_318 : memref<1x128x128xf32, #tpu.memory_space<vmem>> -> memref<128x128xf32, #tpu.memory_space<vmem>>
      %get3A_320 = arith.index_cast %add3A_205 : i32 to index
      %get3A_321 = arith.constant 64 : index
      %get3A_322 = tpu.vector_load %get3A_319[%get3A_320, %get3A_321] {strides = array<i32>} : memref<128x128xf32, #tpu.memory_space<vmem>>, vector<1x16xf32>,
      %get3A_323 = vector.shape_cast %get3A_322 : vector<1x16xf32> to vector<16xf32>
      %add3A_324 = arith.addf %get3A_315, %get3A_323 : vector<16xf32>
      %swap3A_325 = arith.constant 0 : i32
      %swap3A_326 = arith.constant 0 : i32
      %swap3A_327 = tpu.memref_slice %arg11[%scan3A_150, %swap3A_325, %swap3A_326] : memref<2x128x128xf32, #tpu.memory_space<vmem>> -> memref<1x128x128xf32, #tpu.memory_space<vmem>>
      %swap3A_328 = tpu.memref_squeeze %swap3A_327 : memref<1x128x128xf32, #tpu.memory_space<vmem>> -> memref<128x128xf32, #tpu.memory_space<vmem>>
      %swap3A_329 = arith.index_cast %add3A_205 : i32 to index
      %swap3A_330 = arith.constant 64 : index
      %swap3A_331 = tpu.vector_load %swap3A_328[%swap3A_329, %swap3A_330] {strides = array<i32>} : memref<128x128xf32, #tpu.memory_space<vmem>>, vector<1x16xf32>,
      %swap3A_332 = vector.shape_cast %swap3A_331 : vector<1x16xf32> to vector<16xf32>
      %swap3A_333 = vector.shape_cast %add3A_324 : vector<16xf32> to vector<1x16xf32>
      tpu.vector_store %swap3A_328[%swap3A_329, %swap3A_330], %swap3A_333 {strides = array<i32>} : memref<128x128xf32, #tpu.memory_space<vmem>>, vector<1x16xf32>,
      %get3A_334 = arith.constant 0 : i32
      %get3A_335 = arith.constant 0 : i32
      %get3A_336 = tpu.memref_slice %arg9[%scan3A_148, %get3A_334, %get3A_335] : memref<2x128x128xf32, #tpu.memory_space<vmem>> -> memref<1x128x128xf32, #tpu.memory_space<vmem>>
      %get3A_337 = tpu.memref_squeeze %get3A_336 : memref<1x128x128xf32, #tpu.memory_space<vmem>> -> memref<128x128xf32, #tpu.memory_space<vmem>>
      %get3A_338 = arith.index_cast %add3A_205 : i32 to index
      %get3A_339 = arith.constant 80 : index
      %get3A_340 = tpu.vector_load %get3A_337[%get3A_338, %get3A_339] {strides = array<i32>} : memref<128x128xf32, #tpu.memory_space<vmem>>, vector<1x16xf32>,
      %get3A_341 = vector.shape_cast %get3A_340 : vector<1x16xf32> to vector<16xf32>
      %get3A_342 = arith.constant 0 : i32
      %get3A_343 = arith.constant 0 : i32
      %get3A_344 = tpu.memref_slice %arg10[%scan3A_149, %get3A_342, %get3A_343] : memref<2x128x128xf32, #tpu.memory_space<vmem>> -> memref<1x128x128xf32, #tpu.memory_space<vmem>>
      %get3A_345 = tpu.memref_squeeze %get3A_344 : memref<1x128x128xf32, #tpu.memory_space<vmem>> -> memref<128x128xf32, #tpu.memory_space<vmem>>
      %get3A_346 = arith.index_cast %add3A_205 : i32 to index
      %get3A_347 = arith.constant 80 : index
      %get3A_348 = tpu.vector_load %get3A_345[%get3A_346, %get3A_347] {strides = array<i32>} : memref<128x128xf32, #tpu.memory_space<vmem>>, vector<1x16xf32>,
      %get3A_349 = vector.shape_cast %get3A_348 : vector<1x16xf32> to vector<16xf32>
      %add3A_350 = arith.addf %get3A_341, %get3A_349 : vector<16xf32>
      %swap3A_351 = arith.constant 0 : i32
      %swap3A_352 = arith.constant 0 : i32
      %swap3A_353 = tpu.memref_slice %arg11[%scan3A_150, %swap3A_351, %swap3A_352] : memref<2x128x128xf32, #tpu.memory_space<vmem>> -> memref<1x128x128xf32, #tpu.memory_space<vmem>>
      %swap3A_354 = tpu.memref_squeeze %swap3A_353 : memref<1x128x128xf32, #tpu.memory_space<vmem>> -> memref<128x128xf32, #tpu.memory_space<vmem>>
      %swap3A_355 = arith.index_cast %add3A_205 : i32 to index
      %swap3A_356 = arith.constant 80 : index
      %swap3A_357 = tpu.vector_load %swap3A_354[%swap3A_355, %swap3A_356] {strides = array<i32>} : memref<128x128xf32, #tpu.memory_space<vmem>>, vector<1x16xf32>,
      %swap3A_358 = vector.shape_cast %swap3A_357 : vector<1x16xf32> to vector<16xf32>
      %swap3A_359 = vector.shape_cast %add3A_350 : vector<16xf32> to vector<1x16xf32>
      tpu.vector_store %swap3A_354[%swap3A_355, %swap3A_356], %swap3A_359 {strides = array<i32>} : memref<128x128xf32, #tpu.memory_space<vmem>>, vector<1x16xf32>,
      %get3A_360 = arith.constant 0 : i32
      %get3A_361 = arith.constant 0 : i32
      %get3A_362 = tpu.memref_slice %arg9[%scan3A_148, %get3A_360, %get3A_361] : memref<2x128x128xf32, #tpu.memory_space<vmem>> -> memref<1x128x128xf32, #tpu.memory_space<vmem>>
      %get3A_363 = tpu.memref_squeeze %get3A_362 : memref<1x128x128xf32, #tpu.memory_space<vmem>> -> memref<128x128xf32, #tpu.memory_space<vmem>>
      %get3A_364 = arith.index_cast %add3A_205 : i32 to index
      %get3A_365 = arith.constant 96 : index
      %get3A_366 = tpu.vector_load %get3A_363[%get3A_364, %get3A_365] {strides = array<i32>} : memref<128x128xf32, #tpu.memory_space<vmem>>, vector<1x16xf32>,
      %get3A_367 = vector.shape_cast %get3A_366 : vector<1x16xf32> to vector<16xf32>
      %get3A_368 = arith.constant 0 : i32
      %get3A_369 = arith.constant 0 : i32
      %get3A_370 = tpu.memref_slice %arg10[%scan3A_149, %get3A_368, %get3A_369] : memref<2x128x128xf32, #tpu.memory_space<vmem>> -> memref<1x128x128xf32, #tpu.memory_space<vmem>>
      %get3A_371 = tpu.memref_squeeze %get3A_370 : memref<1x128x128xf32, #tpu.memory_space<vmem>> -> memref<128x128xf32, #tpu.memory_space<vmem>>
      %get3A_372 = arith.index_cast %add3A_205 : i32 to index
      %get3A_373 = arith.constant 96 : index
      %get3A_374 = tpu.vector_load %get3A_371[%get3A_372, %get3A_373] {strides = array<i32>} : memref<128x128xf32, #tpu.memory_space<vmem>>, vector<1x16xf32>,
      %get3A_375 = vector.shape_cast %get3A_374 : vector<1x16xf32> to vector<16xf32>
      %add3A_376 = arith.addf %get3A_367, %get3A_375 : vector<16xf32>
      %swap3A_377 = arith.constant 0 : i32
      %swap3A_378 = arith.constant 0 : i32
      %swap3A_379 = tpu.memref_slice %arg11[%scan3A_150, %swap3A_377, %swap3A_378] : memref<2x128x128xf32, #tpu.memory_space<vmem>> -> memref<1x128x128xf32, #tpu.memory_space<vmem>>
      %swap3A_380 = tpu.memref_squeeze %swap3A_379 : memref<1x128x128xf32, #tpu.memory_space<vmem>> -> memref<128x128xf32, #tpu.memory_space<vmem>>
      %swap3A_381 = arith.index_cast %add3A_205 : i32 to index
      %swap3A_382 = arith.constant 96 : index
      %swap3A_383 = tpu.vector_load %swap3A_380[%swap3A_381, %swap3A_382] {strides = array<i32>} : memref<128x128xf32, #tpu.memory_space<vmem>>, vector<1x16xf32>,
      %swap3A_384 = vector.shape_cast %swap3A_383 : vector<1x16xf32> to vector<16xf32>
      %swap3A_385 = vector.shape_cast %add3A_376 : vector<16xf32> to vector<1x16xf32>
      tpu.vector_store %swap3A_380[%swap3A_381, %swap3A_382], %swap3A_385 {strides = array<i32>} : memref<128x128xf32, #tpu.memory_space<vmem>>, vector<1x16xf32>,
      %get3A_386 = arith.constant 0 : i32
      %get3A_387 = arith.constant 0 : i32
      %get3A_388 = tpu.memref_slice %arg9[%scan3A_148, %get3A_386, %get3A_387] : memref<2x128x128xf32, #tpu.memory_space<vmem>> -> memref<1x128x128xf32, #tpu.memory_space<vmem>>
      %get3A_389 = tpu.memref_squeeze %get3A_388 : memref<1x128x128xf32, #tpu.memory_space<vmem>> -> memref<128x128xf32, #tpu.memory_space<vmem>>
      %get3A_390 = arith.index_cast %add3A_205 : i32 to index
      %get3A_391 = arith.constant 112 : index
      %get3A_392 = tpu.vector_load %get3A_389[%get3A_390, %get3A_391] {strides = array<i32>} : memref<128x128xf32, #tpu.memory_space<vmem>>, vector<1x16xf32>,
      %get3A_393 = vector.shape_cast %get3A_392 : vector<1x16xf32> to vector<16xf32>
      %get3A_394 = arith.constant 0 : i32
      %get3A_395 = arith.constant 0 : i32
      %get3A_396 = tpu.memref_slice %arg10[%scan3A_149, %get3A_394, %get3A_395] : memref<2x128x128xf32, #tpu.memory_space<vmem>> -> memref<1x128x128xf32, #tpu.memory_space<vmem>>
      %get3A_397 = tpu.memref_squeeze %get3A_396 : memref<1x128x128xf32, #tpu.memory_space<vmem>> -> memref<128x128xf32, #tpu.memory_space<vmem>>
      %get3A_398 = arith.index_cast %add3A_205 : i32 to index
      %get3A_399 = arith.constant 112 : index
      %get3A_400 = tpu.vector_load %get3A_397[%get3A_398, %get3A_399] {strides = array<i32>} : memref<128x128xf32, #tpu.memory_space<vmem>>, vector<1x16xf32>,
      %get3A_401 = vector.shape_cast %get3A_400 : vector<1x16xf32> to vector<16xf32>
      %add3A_402 = arith.addf %get3A_393, %get3A_401 : vector<16xf32>
      %swap3A_403 = arith.constant 0 : i32
      %swap3A_404 = arith.constant 0 : i32
      %swap3A_405 = tpu.memref_slice %arg11[%scan3A_150, %swap3A_403, %swap3A_404] : memref<2x128x128xf32, #tpu.memory_space<vmem>> -> memref<1x128x128xf32, #tpu.memory_space<vmem>>
      %swap3A_406 = tpu.memref_squeeze %swap3A_405 : memref<1x128x128xf32, #tpu.memory_space<vmem>> -> memref<128x128xf32, #tpu.memory_space<vmem>>
      %swap3A_407 = arith.index_cast %add3A_205 : i32 to index
      %swap3A_408 = arith.constant 112 : index
      %swap3A_409 = tpu.vector_load %swap3A_406[%swap3A_407, %swap3A_408] {strides = array<i32>} : memref<128x128xf32, #tpu.memory_space<vmem>>, vector<1x16xf32>,
      %swap3A_410 = vector.shape_cast %swap3A_409 : vector<1x16xf32> to vector<16xf32>
      %swap3A_411 = vector.shape_cast %add3A_402 : vector<16xf32> to vector<1x16xf32>
      tpu.vector_store %swap3A_406[%swap3A_407, %swap3A_408], %swap3A_411 {strides = array<i32>} : memref<128x128xf32, #tpu.memory_space<vmem>>, vector<1x16xf32>,
    }
    %scan3A_155 = arith.constant 128 : i32
    %add3A_156 = arith.constant 6272 : i32
    %add3A_157 = arith.addi %mul3A_2, %add3A_156 : i32
    %dma_start3A_158 = arith.constant 1 : i32
    %dma_start3A_159 = arith.constant 0 : i32
    %dma_start3A_160 = arith.constant 0 : i32
    %dma_start3A_161 = tpu.memref_slice %arg11[%dma_start3A_158, %dma_start3A_159, %dma_start3A_160] : memref<2x128x128xf32, #tpu.memory_space<vmem>> -> memref<1x128x128xf32, #tpu.memory_space<vmem>>
    %dma_start3A_162 = tpu.memref_squeeze %dma_start3A_161 : memref<1x128x128xf32, #tpu.memory_space<vmem>> -> memref<128x128xf32, #tpu.memory_space<vmem>>
    %dma_start3A_163 = arith.constant 0 : i32
    %dma_start3A_164 = tpu.memref_slice %arg6[%add3A_157, %dma_start3A_163] : memref<204800x128xf32, #tpu.memory_space<hbm>> -> memref<128x128xf32, #tpu.memory_space<hbm>>
    %dma_start3A_165 = arith.constant 0 : i32
    %dma_start3A_166 = tpu.memref_slice %arg6[%add3A_157, %dma_start3A_165] : memref<204800x128xf32, #tpu.memory_space<hbm>> -> memref<128x128xf32, #tpu.memory_space<hbm>>
    %dma_start3A_167 = arith.constant 0 : i32
    %dma_start3A_168 = arith.constant 0 : i32
    %dma_start3A_169 = tpu.memref_slice %arg11[%dma_start3A_158, %dma_start3A_167, %dma_start3A_168] : memref<2x128x128xf32, #tpu.memory_space<vmem>> -> memref<1x128x128xf32, #tpu.memory_space<vmem>>
    %dma_start3A_170 = tpu.memref_squeeze %dma_start3A_169 : memref<1x128x128xf32, #tpu.memory_space<vmem>> -> memref<128x128xf32, #tpu.memory_space<vmem>>
    tpu.enqueue_dma source(%dma_start3A_170 : memref<128x128xf32, #tpu.memory_space<vmem>>) target(%dma_start3A_166 : memref<128x128xf32, #tpu.memory_space<hbm>>) target_semaphore(%arg18 : memref<!tpu.dma_semaphore, #tpu.memory_space<semaphore_mem>>)
    %add3A_171 = arith.constant 6144 : i32
    %add3A_172 = arith.addi %mul3A_2, %add3A_171 : i32
    %dma_wait3A_173 = arith.constant 0 : i32
    %dma_wait3A_174 = arith.constant 0 : i32
    %dma_wait3A_175 = arith.constant 0 : i32
    %dma_wait3A_176 = tpu.memref_slice %arg11[%dma_wait3A_173, %dma_wait3A_174, %dma_wait3A_175] : memref<2x128x128xf32, #tpu.memory_space<vmem>> -> memref<1x128x128xf32, #tpu.memory_space<vmem>>
    %dma_wait3A_177 = tpu.memref_squeeze %dma_wait3A_176 : memref<1x128x128xf32, #tpu.memory_space<vmem>> -> memref<128x128xf32, #tpu.memory_space<vmem>>
    %dma_wait3A_178 = arith.constant 0 : i32
    %dma_wait3A_179 = tpu.memref_slice %arg6[%add3A_172, %dma_wait3A_178] : memref<204800x128xf32, #tpu.memory_space<hbm>> -> memref<128x128xf32, #tpu.memory_space<hbm>>
    %dma_wait3A_180 = arith.constant 0 : i32
    %dma_wait3A_181 = tpu.memref_slice %arg6[%add3A_172, %dma_wait3A_180] : memref<204800x128xf32, #tpu.memory_space<hbm>> -> memref<128x128xf32, #tpu.memory_space<hbm>>
    %dma_wait3A_182 = arith.constant 0 : i32
    %dma_wait3A_183 = arith.constant 0 : i32
    %dma_wait3A_184 = tpu.memref_slice %arg11[%dma_wait3A_173, %dma_wait3A_182, %dma_wait3A_183] : memref<2x128x128xf32, #tpu.memory_space<vmem>> -> memref<1x128x128xf32, #tpu.memory_space<vmem>>
    %dma_wait3A_185 = tpu.memref_squeeze %dma_wait3A_184 : memref<1x128x128xf32, #tpu.memory_space<vmem>> -> memref<128x128xf32, #tpu.memory_space<vmem>>
    tpu.wait_dma2 semaphore(%arg17 : memref<!tpu.dma_semaphore, #tpu.memory_space<semaphore_mem>>) src(%dma_wait3A_185 : memref<128x128xf32, #tpu.memory_space<vmem>>) dst(%dma_wait3A_181 : memref<128x128xf32, #tpu.memory_space<hbm>>)
    %add3A_186 = arith.constant 6272 : i32
    %add3A_187 = arith.addi %mul3A_2, %add3A_186 : i32
    %dma_wait3A_188 = arith.constant 1 : i32
    %dma_wait3A_189 = arith.constant 0 : i32
    %dma_wait3A_190 = arith.constant 0 : i32
    %dma_wait3A_191 = tpu.memref_slice %arg11[%dma_wait3A_188, %dma_wait3A_189, %dma_wait3A_190] : memref<2x128x128xf32, #tpu.memory_space<vmem>> -> memref<1x128x128xf32, #tpu.memory_space<vmem>>
    %dma_wait3A_192 = tpu.memref_squeeze %dma_wait3A_191 : memref<1x128x128xf32, #tpu.memory_space<vmem>> -> memref<128x128xf32, #tpu.memory_space<vmem>>
    %dma_wait3A_193 = arith.constant 0 : i32
    %dma_wait3A_194 = tpu.memref_slice %arg6[%add3A_187, %dma_wait3A_193] : memref<204800x128xf32, #tpu.memory_space<hbm>> -> memref<128x128xf32, #tpu.memory_space<hbm>>
    %dma_wait3A_195 = arith.constant 0 : i32
    %dma_wait3A_196 = tpu.memref_slice %arg6[%add3A_187, %dma_wait3A_195] : memref<204800x128xf32, #tpu.memory_space<hbm>> -> memref<128x128xf32, #tpu.memory_space<hbm>>
    %dma_wait3A_197 = arith.constant 0 : i32
    %dma_wait3A_198 = arith.constant 0 : i32
    %dma_wait3A_199 = tpu.memref_slice %arg11[%dma_wait3A_188, %dma_wait3A_197, %dma_wait3A_198] : memref<2x128x128xf32, #tpu.memory_space<vmem>> -> memref<1x128x128xf32, #tpu.memory_space<vmem>>
    %dma_wait3A_200 = tpu.memref_squeeze %dma_wait3A_199 : memref<1x128x128xf32, #tpu.memory_space<vmem>> -> memref<128x128xf32, #tpu.memory_space<vmem>>
    tpu.wait_dma2 semaphore(%arg18 : memref<!tpu.dma_semaphore, #tpu.memory_space<semaphore_mem>>) src(%dma_wait3A_200 : memref<128x128xf32, #tpu.memory_space<vmem>>) dst(%dma_wait3A_196 : memref<128x128xf32, #tpu.memory_space<hbm>>)
    return
  }
}

</mosaic_0001>

<sc_bundles>
// kernel: kernel.3.cloned.1.call-start
scs
__scs_entry_jumppad:
0x0: {  	(pc) =	sbr.rel $0x88, $3  }
0x1: {  	(tag) =	ssettag $0x0;
	lr =	simm.s32 $0x1  }
0x2: {  	[smem:$0x3F9D] =	sst lr;
	_ =	strace $0xD0000000  }
0x3: {  	_ = 	snop  }
0x4: {  	_ = 	snop  }
0x5: {  	_ = 	snop  }
0x6: {  	_ = 	snop  }
0x7: {  	_ = 	snop  }
__scs_overlays_trampoline_lowered:
0x8: {  	[smem:$0x3FAC] =	sst s0  }
0x9: {  	[smem:$0x3FAD] =	sst s1  }
0xa: {  	[smem:$0x3FAE] =	sst s2  }
0xb: {  	[smem:$0x3FAF] =	sst s3  }
0xc: {  	[smem:$0x3FB0] =	sst s4  }
0xd: {  	[smem:$0x3FB1] =	sst s5  }
0xe: {  	[smem:$0x3FB2] =	sst s6  }
0xf: {  	[smem:$0x3FB3] =	sst s7  }
0x10: {  	[smem:$0x3FB4] =	sst s8  }
0x11: {  	[smem:$0x3FB5] =	sst s9;
	s0 =	simm.s32 @!p0 $0x0  }
0x12: {  	s1 =	sld [smem:$0x3F9B];
	s0 =	simm.s32 @p0 $0x1  }
0x13: {  	[smem:$0x3FB6] =	sst s0;
	s0 =	simm.s32 @!p1 $0x0  }
0x14: {  	s2 =	sld [smem:$0x3F9A];
	s0 =	simm.s32 @p1 $0x1  }
0x15: {  	[smem:$0x3FB7] =	sst s0;
	s0 =	simm.s32 @!p2 $0x0  }
0x16: {  	s3 =	sld [smem:$0x3FDB];
	s0 =	simm.s32 @p2 $0x1  }
0x17: {  	s4 =	simm.s32 $0x1BF5;
	[smem:$0x3FB9] =	sst s0  }
0x18: {  	s0 =	sld [smem:$0x3F9C];
	_ =	swait.ge [sflag:s4], $0x0  }
0x19: {  	s7 =	sld [smem:$0x3F9D]  }
0x1a: {  	s8 =	sadd.s32 $0xFFFFE003, lr  }
0x1b: {  	s9 =	sadd.s32 $0xFFFFFEF7, lr;
	s5 =	simm.s32 $0xFFFFFFFF;
	p2 =	slt.u32 s8, $0xFFFFF086  }
0x1c: {  	p1 =	slt.u32 s9, $0xF7A;
	s5 =	simm.s32 @!p2 $0x0  }
0x1d: {  	s5 =	simm.s32 @p1 $0x1;
	p0 =	seq.s32 s7, s2  }
0x1e: {  	s7 =	smul.u32 @!p0 $0xF7A, s2;
	p2 =	seq.s32 @!p0 s5, $0x0  }
0x1f: {  	s9 =	smul.u32 $0xF7A, s1;
	s8 =	simm.s32 @!p0 $0x1BF5;
	p2 =	por !p2, p0  }
0x20: {  	[sflag:s8] =	ssyncset.s32 @!p0 $0xFFFFF086;
	s6 =	sadd.s32 @!p0 s3, s7;
	s7 =	simm.s32 @!p0 $0x108  }
0x21: {  	s3 =	sadd.s32 s3, s9;
	s6 =	sadd.s32 @!p0 $0x88, s6;
	s7 =	simm.s32 @p2 $0x1082  }
0x22: {  	[simem:s7], [sflag:s8] =	dma.local @!p0 [hbm:s6], $0xF7A  }
0x23: {  	s9 =	sor.u32 $0xD0000000, s2;
	s6 =	simm.s32 $0x108;
	_ =	swait.ge @!p0 [sflag:s8], $0x0  }
0x24: {  	s3 =	sadd.s32 $0x88, s3;
	s6 =	simm.s32 @!p1 $0x1082;
	[sflag:s4] =	ssyncset.s32 $0xFFFFF086  }
0x25: {  	[simem:s6], [sflag:s4] =	dma.local [hbm:s3], $0xF7A  }
0x26: {  	[smem:$0x3F9D] =	sst s1;
	(tag) =	ssettag s2;
	_ =	strace s9  }
0x27: {  	s1 =	sld [smem:$0x3FAD]  }
0x28: {  	s2 =	sld [smem:$0x3FAE]  }
0x29: {  	s4 =	sld [smem:$0x3FB0]  }
0x2a: {  	p0 =	seq.s32 s5, $0x0;
	s5 =	sld [smem:$0x3FB1]  }
0x2b: {  	s6 =	sld [smem:$0x3FB2]  }
0x2c: {  	s7 =	sld [smem:$0x3FB3]  }
0x2d: {  	s3 =	simm.s32 $0x108;
	s8 =	sld [smem:$0x3FB4]  }
0x2e: {  	s3 =	simm.s32 @!p0 $0x1082;
	s9 =	sld [smem:$0x3FB5]  }
0x2f: {  	lr =	sadd.s32 s0, s3;
	s0 =	sld [smem:$0x3FAC]  }
0x30: {  	s3 =	sld [smem:$0x3FAF]  }
0x31: {  	[smem:$0x3FB8] =	sst s10  }
0x32: {  	s10 =	sld [smem:$0x3FB6];
	_ =	sdelay $0x3  }
0x33: {  	p0 =	seq.s32 s10, $0x1;
	s10 =	sld [smem:$0x3FB8];
	_ =	sdelay $0x3  }
0x34: {  	[smem:$0x3FB8] =	sst s10  }
0x35: {  	s10 =	sld [smem:$0x3FB7];
	_ =	sdelay $0x3  }
0x36: {  	p1 =	seq.s32 s10, $0x1;
	s10 =	sld [smem:$0x3FB8];
	_ =	sdelay $0x3  }
0x37: {  	[smem:$0x3FB8] =	sst s10  }
0x38: {  	s10 =	sld [smem:$0x3FB9]  }
0x39: {  	_ = 	snop;
	(pc) =	sbr.ind lr, $3  }
0x3a: {  	_ = 	snop  }
0x3b: {  	_ = 	snop  }
0x3c: {  	p2 =	seq.s32 s10, $0x1;
	s10 =	sld [smem:$0x3FB8]  }
0x3d: {  	_ =	shalt  }
0x3e: {  	_ =	shalt  }
0x3f: {  	_ =	shalt  }
0x40: {  	_ =	shalt  }
0x41: {  	_ =	shalt  }
0x42: {  	_ =	shalt  }
0x43: {  	_ =	shalt  }
0x44: {  	_ =	shalt  }
0x45: {  	_ =	shalt  }
0x46: {  	_ =	shalt  }
0x47: {  	_ =	shalt  }
0x48: {  	_ =	shalt  }
0x49: {  	_ =	shalt  }
0x4a: {  	_ =	shalt  }
0x4b: {  	_ =	shalt  }
0x4c: {  	_ =	shalt  }
0x4d: {  	_ =	shalt  }
0x4e: {  	_ =	shalt  }
0x4f: {  	_ =	shalt  }
0x50: {  	_ =	shalt  }
0x51: {  	_ =	shalt  }
0x52: {  	_ =	shalt  }
0x53: {  	_ =	shalt  }
0x54: {  	_ =	shalt  }
0x55: {  	_ =	shalt  }
0x56: {  	_ =	shalt  }
0x57: {  	_ =	shalt  }
0x58: {  	_ =	shalt  }
0x59: {  	_ =	shalt  }
0x5a: {  	_ =	shalt  }
0x5b: {  	_ =	shalt  }
0x5c: {  	_ =	shalt  }
0x5d: {  	_ =	shalt  }
0x5e: {  	_ =	shalt  }
0x5f: {  	_ =	shalt  }
0x60: {  	_ =	shalt  }
0x61: {  	_ =	shalt  }
0x62: {  	_ =	shalt  }
0x63: {  	_ =	shalt  }
0x64: {  	_ =	shalt  }
0x65: {  	_ =	shalt  }
0x66: {  	_ =	shalt  }
0x67: {  	_ =	shalt  }
0x68: {  	_ =	shalt  }
0x69: {  	_ =	shalt  }
0x6a: {  	_ =	shalt  }
0x6b: {  	_ =	shalt  }
0x6c: {  	_ =	shalt  }
0x6d: {  	_ =	shalt  }
0x6e: {  	_ =	shalt  }
0x6f: {  	_ =	shalt  }
0x70: {  	_ =	shalt  }
0x71: {  	_ =	shalt  }
0x72: {  	_ =	shalt  }
0x73: {  	_ =	shalt  }
0x74: {  	_ =	shalt  }
0x75: {  	_ =	shalt  }
0x76: {  	_ =	shalt  }
0x77: {  	_ =	shalt  }
0x78: {  	_ =	shalt  }
0x79: {  	_ =	shalt  }
0x7a: {  	_ =	shalt  }
0x7b: {  	_ =	shalt  }
0x7c: {  	_ =	shalt  }
0x7d: {  	_ =	shalt  }
0x7e: {  	_ =	shalt  }
0x7f: {  	_ =	shalt  }
0x80: {  	_ =	shalt  }
0x81: {  	_ =	shalt  }
0x82: {  	_ =	shalt  }
0x83: {  	_ =	shalt  }
0x84: {  	_ =	shalt  }
0x85: {  	_ =	shalt  }
0x86: {  	_ =	shalt  }
0x87: {  	_ =	shalt  }
.Lfunc_end0:
.L_simem_size_0:
called_computation_lowered:
.L_overlay_start_0:
0x88: {  	s2 =	sld [smem:$0x3FD9]  }
0x89: {  	s3 =	sld [smem:$0x3FFE];
	_ =	sdelay $0x1  }
0x8a: {  	s1 =	srdreg.scid  }
0x8b: {  	s0 =	sand.u32 $0x1, s1  }
0x8c: {  	s17 =	sshll.u32 s0, $0xA;
	s2 =	sadd.s32 s3, s2  }
0x8d: {  	s2 =	sadd.s32 s2, s17  }
0x8e: {  	[smem:$0x3FC4] =	sst s2  }
0x8f: {  	_ = 	snop  }
0x90: {  	s2 =	sld [smem:$0x3FC7]  }
0x91: {  	s18 =	sld [smem:$0x3FD0];
	(tm) =	ssettm $0x1  }
0x92: {  	s4 =	sld [smem:$0x3FFB];
	_ =	sdelay $0x3  }
0x93: {  	_ =	strace s4  }
0x94: {  	s4 =	sld [smem:$0x3FFC];
	_ =	sdelay $0x3  }
0x95: {  	_ =	strace s4  }
0x96: {  	s4 =	sld [smem:$0x3FFD];
	_ =	sdelay $0x3  }
0x97: {  	_ =	strace s4  }
0x98: {  	_ =	strace $0x8FFFFFFF  }
0x99: {  	s19 =	sld [smem:$0x3FDB];
	_ =	sdelay $0x1  }
0x9a: {  	s5 =	simm.s32 $_scs_section_size  }
0x9b: {  	s6 =	simm.s32 $_size__tile_overlayer_lowered;
	s7 =	simm.s32 $_tile_overlayer_lowered  }
0x9c: {  	s22 =	simm.s32 $0x1BFF;
	s21 =	sshll.u32 s7, $0x1;
	s4 =	sadd.s32 s5, s19  }
0x9d: {  	s8 =	simm.s32 $0x0;
	s20 =	sshll.u32 s6, $0x1;
	s6 =	sadd.s32 s21, s4  }
0x9e: {  	[timem:s8], [sflag:s22] =	dma.local [hbm:s6], s20  }
0x9f: {  	_ =	swait.ge [sflag:s22], s20  }
0xa0: {  	s5 =	ssub.s32 $0x0, s20;
	[sflag:s22] =	ssyncset.done $0x0  }
0xa1: {  	[sflag:s22] =	ssyncadd.s32 s5;
	_ =	sdelay $0x1  }
0xa2: {  	s23 =	simm.s32 $0x1B8B  }
0xa3: {  	_ =	swait.ge [sflag:s23], $0x1  }
0xa4: {  	[sflag:s23] =	ssyncset.done $0x0  }
0xa5: {  	s25 =	simm.s32 $0x1B8E;
	s24 =	sld [smem:$0x3FFE];
	[sflag:s23] =	ssyncadd.s32 $0xFFFFFFFF  }
0xa6: {  	s26 =	simm.s32 $execute0_lowered;
	[smem:$0x3FD2] =	sst s25  }
0xa7: {  	s6 =	sshll.u32 s26, $0x1;
	_ =	strace $0x80000046;
	[dreg:$0x1] =	wrdreg $0xFFFFFFFF  }
0xa8: {  	s28 =	simm.s32 $_size_execute0_lowered;
	s4 =	sadd.s32 s4, s6;
	[dreg:$0x0] =	wrdreg $0x0  }
0xa9: {  	s6 =	sshll.u32 s28, $0x1;
	[dreg:$0x2] =	wrdreg s4  }
0xaa: {  	[dreg:$0x3] =	wrdreg s6  }
0xab: {  	[dreg:$0x4] =	wrdreg $0xC0  }
0xac: {  	_ =	task [dreg:s8], $0x5FFFF  }
0xad: {  	[dreg:$0x1] =	wrdreg $0xFFFFFFFF  }
0xae: {  	[dreg:$0x0] =	wrdreg $0x60  }
0xaf: {  	[dreg:$0x2] =	wrdreg s2  }
0xb0: {  	[dreg:$0x3] =	wrdreg s24  }
0xb1: {  	[dreg:$0x4] =	wrdreg s18  }
0xb2: {  	[dreg:$0x5] =	wrdreg $0x1B2000  }
0xb3: {  	[dreg:$0x6] =	wrdreg $0x9  }
0xb4: {  	_ =	task.clear_ibuf [dreg:s8], $0x7FFFF;
	_ =	strace $0x90000046  }
0xb5: {  	s29 =	simm.s32 $0x9;
	_ =	strace $0x80000048  }
0xb6: {  	_ =	swait.ge [sflag:s29], $0x1  }
0xb7: {  	[sflag:s29] =	ssyncadd.s32 $0xFFFFFFFF  }
0xb8: {  	_ =	strace $0x90000048  }
0xb9: {  	_ =	sfence  }
0xba: {  	s30 =	sld [smem:$0x0];
	_ =	sdelay $0x2  }
0xbb: {  	s31 =	sshll.u32 s1, $0xD;
	s1 =	sshrl.u32 s1, $0x2  }
0xbc: {  	s3 =	sand.u32 $0x4000, s31;
	s1 =	sadd.s32 s1, s30  }
0xbd: {  	s0 =	sor.u32 s3, s0;
	s1 =	sshll.u32 s1, $0x11  }
0xbe: {  	s0 =	sor.u32 s1, s0  }
0xbf: {  	s0 =	sadd.s32 $0x8F2B, s0  }
0xc0: {  	[sflag:s0] =	ssyncadd.remote.s32 $0x1  }
0xc1: {  	_ =	sfence.sel $0xFFFF  }
0xc2: {  	[dreg:$0x0] =	wrdreg $0xFFFFFFFF;
	(pc) =	sbr.abs _section_cstart, $3  }
0xc3: {  	[dreg:$0x1] =	wrdreg $0xFFFFFFFF  }
0xc4: {  	_ =	task.clear_ibuf [dreg:s8], $0x2FFFF;
	_ =	strace $0x9FFFFFFF  }
0xc5: {  	(tm) =	ssettm $0x7FFFFFFF  }
tec
execute0_lowered:
.L_overlay_start_1:
0x0: {  	(tag) =	ssettag $0x1  }
0x1: {  	s1 =	rddreg [dreg:$0x0]  }
0x2: {  	s0 =	rddreg [dreg:$0x1]  }
0x3: {  	s3 =	rddreg [dreg:$0x2]  }
0x4: {  	s12 =	stileid.u32;
	s2 =	srdreg.scid  }
0x5: {  	s4 =	rddreg [dreg:$0x3];
	s5 =	simm.s32 $0x0;
	s16 =	simm.s32 $0xB200  }
0x6: {  	s17 =	simm.s32 $0x7;
	s18 =	simm.s32 $0x1900;
	s19 =	simm.s32 $0x80  }
0x7: {  	s20 =	simm.s32 $0x3200;
	s28 =	simm.s32 $0x2;
	s29 =	simm.s32 $0x4  }
0x8: {  	s30 =	simm.s32 $0x17200;
	s31 =	simm.s32 $0x5;
	s8 =	smul.u32 $0x280, s12  }
0x9: {  	s2 =	sand.u32 $0x1, s2;
	s6 =	sshll.u32 s12, $0x1;
	s11 =	smul.u32 $0x5000, s12  }
0xa: {  	[smem:$0x7FF] =	sst s5;
	s26 =	smul.u32 $0x3200, s12;
	s6 =	sor.u32 s2, s6  }
0xb: {  	_ =	strace $0x80000047;
	s10 =	ssub.s32 $0x2, s2;
	s2 =	smul.u32 $0x1900, s2  }
0xc: {  	s7 =	smul.u32 $0x1900, s6;
	s8 =	sadd.s32 s8, s0;
	s21 =	sshrl.u32 s10, $0x1  }
0xd: {  	s22 =	sshrl.u32 s11, $0x2;
	s6 =	smul.u32 $0xC8000, s6;
	s8 =	sadd.s32 $0xCC00, s8  }
0xe: {  	s23 =	sadd.s32 s22, s4;
	s15 =	sadd.s32 s2, s26;
	s26 =	simm.s32 $0x13200  }
0xf: {  	s2 =	simm.s32 $0x6;
	s9 =	sshrl.u32 s7, $0x3;
	[dreg:$0x5] =	wrdreg s8  }
0x10: {  	[dreg:$0x6] =	wrdreg s23;
	s25 =	sshrl.u32 s6, $0x3;
	s0 =	sadd.s32 s9, s0  }
0x11: {  	s11 =	sor.u32 $0x80, s7;
	s23 =	simm.s32 $0xF200;
	s24 =	sadd.s32 $0x400, s0  }
0x12: {  	s9 =	ssub.s32 s10, s21;
	s0 =	sadd.s32 $0x6800, s0;
	[dreg:$0x7] =	wrdreg s24  }
0x13: {  	s21 =	simm.s32 $0x7200;
	s14 =	smax.u32 s9, $0x1;
	[dreg:$0x8] =	wrdreg s0  }
0x14: {  	s0 =	sadd.s32 s3, s25;
	s24 =	simm.s32 $0x1;
	s25 =	simm.s32 $0x3  }
0x15: {  	v0 =	vlaneseq.u32;
	s12 =	sadd.s32 $0x18000, s0;
	s13 =	sadd.s32 $0x18800, s0;
	s0 =	simm.s32 $0x0  }
.LBB2_1:
0x16: {  	s7 =	rddreg [dreg:$0x5]  }
0x17: {  	[tilespmem:s16], [sflag:$0x7] =	stream.linear.gather [hbm4b:s7+s5], $0x1400, $0x38;
	[tilespmem:$0x1C600] =	vst v63  }
0x18: {  	_ =	swait.ge [sflag:s17], $0x1400  }
0x19: {  	[sflag:s17] =	ssyncset.done $0x0  }
0x1a: {  	s9 =	rddreg [dreg:$0x6];
	[sflag:s17] =	ssyncadd.s32 $0xFFFFEC00  }
0x1b: {  	[spmem:s9] =	stream.linear.scatter [tilespmem:s16], [sflag:$0x7], $0x1400, $0x38;
	[tilespmem:$0x1C600] =	vst v63  }
0x1c: {  	_ =	swait.ge [sflag:s17], $0x1400  }
0x1d: {  	[sflag:s17] =	ssyncset.done $0x0  }
0x1e: {  	s10 =	rddreg [dreg:$0x7];
	[sflag:s17] =	ssyncadd.s32 $0xFFFFEC00  }
0x1f: {  	[tilespmem:s5], [sflag:$0x7] =	stream.linear.gather [hbm4b:s10+s5], $0x1900, $0x38;
	[tilespmem:$0x1C600] =	vst v63  }
0x20: {  	_ =	swait.ge [sflag:s17], $0x1900  }
0x21: {  	[sflag:s17] =	ssyncset.done $0x0  }
0x22: {  	s22 =	rddreg [dreg:$0x8];
	[sflag:s17] =	ssyncadd.s32 $0xFFFFE700  }
0x23: {  	[tilespmem:s18], [sflag:$0x7] =	stream.linear.gather [hbm4b:s22+s5], $0x1900, $0x38;
	[tilespmem:$0x1C600] =	vst v63  }
0x24: {  	_ =	swait.ge [sflag:s17], $0x1900  }
0x25: {  	s8 =	smov.u32 s15;
	[sflag:s17] =	ssyncset.done $0x0  }
0x26: {  	s7 =	simm.s32 $0x0;
	s9 =	simm.s32 $0x40;
	[sflag:s17] =	ssyncadd.s32 $0xFFFFE700  }
.LBB2_2:
0x27: {  	p0 =	sne.s32 s9, $0x63C0;
	v1 =	vor.u32 s8, v0;
	v2 =	vld [tilespmem:s7+$0x1900]  }
0x28: {  	v3 =	vmulhi.u32 $0x51EB851F, v1;
	_ =	sdelay $0x1  }
0x29: {  	v3 =	vshrl.u32 v3, $0x6  }
.Ltmp0:
0x2a: {  	v3 =	vmul.u32 $0xC8, v3;
	(pc) =	sbr.rel @p0 .LBB2_2-.Ltmp0, $4  }
0x2b: {  	v2 =	vmul.u32 $0xC8, v2  }
0x2c: {  	v1 =	vsub.s32 v1, v3  }
0x2d: {  	v1 =	vadd.s32 v1, v2  }
0x2e: {  	s8 =	sadd.s32 $0x10, s8;
	[tilespmem:s7+$0x1900] =	vst v1;
	s7 =	sshra.s32 s9, $0x2;
	s9 =	sadd.s32 $0x40, s9  }
0x2f: {  	v1 =	vor.u32 s8, v0;
	v2 =	vld [tilespmem:s7+$0x1900]  }
0x30: {  	v3 =	vmulhi.u32 $0x51EB851F, v1;
	_ =	sdelay $0x1  }
0x31: {  	v3 =	vshrl.u32 v3, $0x6  }
0x32: {  	v3 =	vmul.u32 $0xC8, v3  }
0x33: {  	v2 =	vmul.u32 $0xC8, v2  }
0x34: {  	v1 =	vsub.s32 v1, v3  }
0x35: {  	v1 =	vadd.s32 v1, v2  }
0x36: {  	[tilespmem:s7+$0x1900] =	vst v1  }
0x37: {  	s22 =	simm.s32 $0x0;
	[bflag:$0x0] =	sbarrier.arrive $0xFFFF  }
0x38: {  	[tilespmem:s20], [sflag:$0x1] =	stream.indirect.gather [hbm4b:s1+s19], $0x80, s22, s19, $0xb8;
	[tilespmem:$0x1C600] =	vst v63  }
0x39: {  	_ = 	snop  }
0x3a: {  	[tilespmem:s16], [sflag:$0x3] =	stream.indirect.gather [spmem:s4], $0x80, s18, s19, $0xb8;
	[tilespmem:$0x1C600] =	vst v63  }
0x3b: {  	_ = 	snop  }
0x3c: {  	[tilespmem:s21], [sflag:$0x2] =	stream.indirect.gather [hbm4b:s1+s19], $0x80, s19, s19, $0xb8;
	[tilespmem:$0x1C600] =	vst v63  }
0x3d: {  	s10 =	simm.s32 $0x1980  }
0x3e: {  	[tilespmem:s23], [sflag:$0x4] =	stream.indirect.gather [spmem:s4], $0x80, s10, s19, $0xb8;
	[tilespmem:$0x1C600] =	vst v63  }
.LBB2_4:
0x3f: {  	_ =	swait.ge [sflag:s24], $0x4000  }
0x40: {  	[sflag:s24] =	ssyncset.done $0x0  }
0x41: {  	[sflag:s24] =	ssyncadd.s32 $0xFFFFC000  }
0x42: {  	_ =	swait.ge [sflag:s25], $0x4000  }
0x43: {  	p0 =	seq.s32 s22, $0x0;
	[sflag:s25] =	ssyncset.done $0x0  }
0x44: {  	s7 =	simm.s32 @!p0 $0x5;
	[sflag:s25] =	ssyncadd.s32 $0xFFFFC000  }
0x45: {  	_ =	swait.ge @!p0 [sflag:s7], $0x4000  }
0x46: {  	[sflag:s7] =	ssyncset.done @!p0 $0x0  }
0x47: {  	[sflag:s7] =	ssyncadd.s32 @!p0 $0xFFFFC000;
	s7 =	simm.s32 $0x0  }
0x48: {  	v1 =	vld [tilespmem:s7+$0x3270]  }
0x49: {  	v2 =	vld [tilespmem:s7+$0xB270]  }
0x4a: {  	v3 =	vld [tilespmem:s7+$0x3200]  }
0x4b: {  	v4 =	vld [tilespmem:s7+$0xB200]  }
0x4c: {  	v5 =	vld [tilespmem:s7+$0x3210]  }
0x4d: {  	v6 =	vld [tilespmem:s7+$0xB210]  }
0x4e: {  	v7 =	vld [tilespmem:s7+$0x3220]  }
0x4f: {  	v8 =	vld [tilespmem:s7+$0x3230]  }
0x50: {  	v1 =	vadd.f32 v2, v1;
	v2 =	vld [tilespmem:s7+$0xB220]  }
0x51: {  	v9 =	vld [tilespmem:s7+$0xB230]  }
0x52: {  	v10 =	vld [tilespmem:s7+$0xB240];
	v3 =	vadd.f32 v4, v3  }
0x53: {  	[tilespmem:s7+$0x13270] =	vst v1;
	v1 =	vadd.f32 v6, v5;
	v6 =	vld [tilespmem:s7+$0x3240]  }
0x54: {  	v4 =	vld [tilespmem:s7+$0xB250];
	[tilespmem:s7+$0x13200] =	vst v3  }
0x55: {  	v3 =	vld [tilespmem:s7+$0x3250];
	[tilespmem:s7+$0x13210] =	vst v1;
	v1 =	vadd.f32 v2, v7  }
0x56: {  	v5 =	vld [tilespmem:s7+$0xB260];
	v7 =	vadd.f32 v9, v8  }
0x57: {  	s8 =	simm.s32 $0x80;
	[tilespmem:s7+$0x13220] =	vst v1;
	v1 =	vld [tilespmem:s7+$0x3260]  }
0x58: {  	s9 =	simm.s32 $0x400;
	v6 =	vadd.f32 v10, v6;
	v2 =	vld [tilespmem:s8+$0x3270];
	[tilespmem:s7+$0x13230] =	vst v7  }
.LBB2_5:
0x59: {  	p1 =	sne.s32 s9, $0xFE00;
	v7 =	vld [tilespmem:s8+$0xB270]  }
0x5a: {  	v8 =	vld [tilespmem:s8+$0x3200];
	[tilespmem:s7+$0x13240] =	vst v6;
	v3 =	vadd.f32 v4, v3  }
0x5b: {  	v4 =	vld [tilespmem:s8+$0xB200]  }
0x5c: {  	v6 =	vld [tilespmem:s8+$0x3210];
	[tilespmem:s7+$0x13250] =	vst v3;
	v1 =	vadd.f32 v5, v1  }
0x5d: {  	v3 =	vld [tilespmem:s8+$0xB210]  }
0x5e: {  	v5 =	vld [tilespmem:s8+$0x3220];
	v2 =	vadd.f32 v7, v2;
	[tilespmem:s7+$0x13260] =	vst v1;
	s7 =	smov.u32 s8  }
0x5f: {  	v1 =	vld [tilespmem:s7+$0xB220]  }
0x60: {  	v4 =	vadd.f32 v4, v8;
	v7 =	vld [tilespmem:s7+$0x3230];
	[tilespmem:s7+$0x13270] =	vst v2  }
0x61: {  	v2 =	vld [tilespmem:s7+$0xB230]  }
0x62: {  	[tilespmem:s7+$0x13200] =	vst v4;
	v3 =	vadd.f32 v3, v6;
	v6 =	vld [tilespmem:s7+$0x3240]  }
0x63: {  	v8 =	vld [tilespmem:s7+$0xB240]  }
.Ltmp1:
0x64: {  	[tilespmem:s7+$0x13210] =	vst v3;
	v1 =	vadd.f32 v1, v5;
	v3 =	vld [tilespmem:s7+$0x3250];
	(pc) =	sbr.rel @p1 .LBB2_5-.Ltmp1, $4  }
0x65: {  	v4 =	vld [tilespmem:s7+$0xB250]  }
0x66: {  	[tilespmem:s7+$0x13220] =	vst v1;
	v7 =	vadd.f32 v2, v7;
	v1 =	vld [tilespmem:s7+$0x3260]  }
0x67: {  	s8 =	sshra.s32 s9, $0x2;
	v5 =	vld [tilespmem:s7+$0xB260]  }
0x68: {  	s9 =	sadd.s32 $0x200, s9;
	v2 =	vld [tilespmem:s8+$0x3270];
	[tilespmem:s7+$0x13230] =	vst v7;
	v6 =	vadd.f32 v8, v6  }
0x69: {  	v7 =	vld [tilespmem:s8+$0xB270]  }
0x6a: {  	v8 =	vld [tilespmem:s8+$0x3200];
	[tilespmem:s7+$0x13240] =	vst v6;
	v3 =	vadd.f32 v4, v3  }
0x6b: {  	v4 =	vld [tilespmem:s8+$0xB200]  }
0x6c: {  	v6 =	vld [tilespmem:s8+$0x3210];
	[tilespmem:s7+$0x13250] =	vst v3;
	v1 =	vadd.f32 v5, v1  }
0x6d: {  	v3 =	vld [tilespmem:s8+$0xB210]  }
0x6e: {  	v5 =	vld [tilespmem:s8+$0x3220];
	[tilespmem:s7+$0x13260] =	vst v1  }
0x6f: {  	v1 =	vadd.f32 v7, v2;
	v2 =	vld [tilespmem:s8+$0xB220]  }
0x70: {  	v7 =	vld [tilespmem:s8+$0x3230]  }
0x71: {  	v4 =	vadd.f32 v4, v8;
	[tilespmem:s8+$0x13270] =	vst v1;
	v1 =	vld [tilespmem:s8+$0xB230]  }
0x72: {  	v8 =	vld [tilespmem:s8+$0xB260]  }
0x73: {  	[tilespmem:s8+$0x13200] =	vst v4;
	v3 =	vadd.f32 v3, v6;
	v4 =	vld [tilespmem:s8+$0x3240]  }
0x74: {  	v6 =	vld [tilespmem:s8+$0xB240]  }
0x75: {  	[tilespmem:s8+$0x13210] =	vst v3;
	v2 =	vadd.f32 v2, v5;
	v3 =	vld [tilespmem:s8+$0x3250]  }
0x76: {  	v5 =	vld [tilespmem:s8+$0xB250]  }
0x77: {  	[tilespmem:s8+$0x13220] =	vst v2;
	v2 =	vld [tilespmem:s8+$0x3260];
	_ =	sdelay $0x1  }
0x78: {  	v1 =	vadd.f32 v1, v7  }
0x79: {  	v4 =	vadd.f32 v6, v4  }
0x7a: {  	[tilespmem:s8+$0x13230] =	vst v1;
	v1 =	vadd.f32 v5, v3  }
0x7b: {  	[tilespmem:s8+$0x13240] =	vst v4;
	v2 =	vadd.f32 v8, v2  }
0x7c: {  	s7 =	sshll.u32 s22, $0x8;
	[tilespmem:s8+$0x13250] =	vst v1  }
0x7d: {  	s10 =	sadd.s32 $0x100, s7;
	[tilespmem:s8+$0x13260] =	vst v2  }
0x7e: {  	[tilespmem:s20], [sflag:$0x1] =	stream.indirect.gather [hbm4b:s1+s19], $0x80, s10, s19, $0xb8;
	[tilespmem:$0x1C600] =	vst v63  }
0x7f: {  	s10 =	sshll.u32 s22, $0xF  }
0x80: {  	s9 =	sadd.s32 $0x1A00, s7;
	s8 =	sadd.s32 s6, s10  }
0x81: {  	[tilespmem:s16], [sflag:$0x3] =	stream.indirect.gather [spmem:s4], $0x80, s9, s19, $0xb8;
	[tilespmem:$0x1C600] =	vst v63  }
0x82: {  	s8 =	sshrl.u32 s8, $0x3  }
0x83: {  	s8 =	sadd.s32 s3, s8  }
0x84: {  	[hbm4b:s8+s5] =	stream.linear.scatter [tilespmem:s26], [sflag:$0x5], $0x4000, $0x38;
	[tilespmem:$0x1C600] =	vst v63  }
0x85: {  	_ =	swait.ge [sflag:s28], $0x4000  }
0x86: {  	[sflag:s28] =	ssyncset.done $0x0  }
0x87: {  	[sflag:s28] =	ssyncadd.s32 $0xFFFFC000  }
0x88: {  	_ =	swait.ge [sflag:s29], $0x4000  }
0x89: {  	[sflag:s29] =	ssyncset.done $0x0  }
0x8a: {  	s8 =	simm.s32 @!p0 $0x6;
	[sflag:s29] =	ssyncadd.s32 $0xFFFFC000  }
0x8b: {  	_ =	swait.ge @!p0 [sflag:s8], $0x4000  }
0x8c: {  	[sflag:s8] =	ssyncset.done @!p0 $0x0  }
0x8d: {  	[sflag:s8] =	ssyncadd.s32 @!p0 $0xFFFFC000;
	s8 =	simm.s32 $0x0  }
0x8e: {  	v1 =	vld [tilespmem:s8+$0x7270]  }
0x8f: {  	v2 =	vld [tilespmem:s8+$0xF270]  }
0x90: {  	v3 =	vld [tilespmem:s8+$0x7200]  }
0x91: {  	v4 =	vld [tilespmem:s8+$0xF200]  }
0x92: {  	v5 =	vld [tilespmem:s8+$0x7210]  }
0x93: {  	v6 =	vld [tilespmem:s8+$0xF210]  }
0x94: {  	v7 =	vld [tilespmem:s8+$0x7220]  }
0x95: {  	v8 =	vld [tilespmem:s8+$0x7230]  }
0x96: {  	v1 =	vadd.f32 v2, v1;
	v2 =	vld [tilespmem:s8+$0xF220]  }
0x97: {  	v9 =	vld [tilespmem:s8+$0xF230]  }
0x98: {  	v10 =	vld [tilespmem:s8+$0xF240];
	v3 =	vadd.f32 v4, v3  }
0x99: {  	[tilespmem:s8+$0x17270] =	vst v1;
	v1 =	vadd.f32 v6, v5;
	v6 =	vld [tilespmem:s8+$0x7240]  }
0x9a: {  	v4 =	vld [tilespmem:s8+$0xF250];
	[tilespmem:s8+$0x17200] =	vst v3  }
0x9b: {  	v3 =	vld [tilespmem:s8+$0x7250];
	[tilespmem:s8+$0x17210] =	vst v1;
	v1 =	vadd.f32 v2, v7  }
0x9c: {  	v5 =	vld [tilespmem:s8+$0xF260];
	v7 =	vadd.f32 v9, v8  }
0x9d: {  	s9 =	simm.s32 $0x80;
	[tilespmem:s8+$0x17220] =	vst v1;
	v1 =	vld [tilespmem:s8+$0x7260]  }
0x9e: {  	s10 =	simm.s32 $0x400;
	v6 =	vadd.f32 v10, v6;
	v2 =	vld [tilespmem:s9+$0x7270];
	[tilespmem:s8+$0x17230] =	vst v7  }
.LBB2_7:
0x9f: {  	p0 =	sne.s32 s10, $0xFE00;
	v7 =	vld [tilespmem:s9+$0xF270]  }
0xa0: {  	v8 =	vld [tilespmem:s9+$0x7200];
	[tilespmem:s8+$0x17240] =	vst v6;
	v3 =	vadd.f32 v4, v3  }
0xa1: {  	v4 =	vld [tilespmem:s9+$0xF200]  }
0xa2: {  	v6 =	vld [tilespmem:s9+$0x7210];
	[tilespmem:s8+$0x17250] =	vst v3;
	v1 =	vadd.f32 v5, v1  }
0xa3: {  	v3 =	vld [tilespmem:s9+$0xF210]  }
0xa4: {  	v5 =	vld [tilespmem:s9+$0x7220];
	v2 =	vadd.f32 v7, v2;
	[tilespmem:s8+$0x17260] =	vst v1;
	s8 =	smov.u32 s9  }
0xa5: {  	v1 =	vld [tilespmem:s8+$0xF220]  }
0xa6: {  	v4 =	vadd.f32 v4, v8;
	v7 =	vld [tilespmem:s8+$0x7230];
	[tilespmem:s8+$0x17270] =	vst v2  }
0xa7: {  	v2 =	vld [tilespmem:s8+$0xF230]  }
0xa8: {  	[tilespmem:s8+$0x17200] =	vst v4;
	v3 =	vadd.f32 v3, v6;
	v6 =	vld [tilespmem:s8+$0x7240]  }
0xa9: {  	v8 =	vld [tilespmem:s8+$0xF240]  }
.Ltmp2:
0xaa: {  	[tilespmem:s8+$0x17210] =	vst v3;
	v1 =	vadd.f32 v1, v5;
	v3 =	vld [tilespmem:s8+$0x7250];
	(pc) =	sbr.rel @p0 .LBB2_7-.Ltmp2, $4  }
0xab: {  	v4 =	vld [tilespmem:s8+$0xF250]  }
0xac: {  	[tilespmem:s8+$0x17220] =	vst v1;
	v7 =	vadd.f32 v2, v7;
	v1 =	vld [tilespmem:s8+$0x7260]  }
0xad: {  	s9 =	sshra.s32 s10, $0x2;
	v5 =	vld [tilespmem:s8+$0xF260]  }
0xae: {  	s10 =	sadd.s32 $0x200, s10;
	v2 =	vld [tilespmem:s9+$0x7270];
	[tilespmem:s8+$0x17230] =	vst v7;
	v6 =	vadd.f32 v8, v6  }
0xaf: {  	v7 =	vld [tilespmem:s9+$0xF270]  }
0xb0: {  	v8 =	vld [tilespmem:s9+$0x7200];
	[tilespmem:s8+$0x17240] =	vst v6;
	v3 =	vadd.f32 v4, v3  }
0xb1: {  	v57 =	vld [tilespmem:s9+$0xF200]  }
0xb2: {  	v6 =	vld [tilespmem:s9+$0x7210];
	[tilespmem:s8+$0x17250] =	vst v3;
	v1 =	vadd.f32 v5, v1  }
0xb3: {  	v3 =	vld [tilespmem:s9+$0xF210]  }
0xb4: {  	v58 =	vld [tilespmem:s9+$0x7220];
	[tilespmem:s8+$0x17260] =	vst v1  }
0xb5: {  	v1 =	vadd.f32 v7, v2;
	v2 =	vld [tilespmem:s9+$0xF220]  }
0xb6: {  	v59 =	vld [tilespmem:s9+$0x7230]  }
0xb7: {  	v60 =	vld [tilespmem:s9+$0x7240]  }
0xb8: {  	v61 =	vld [tilespmem:s9+$0xF240]  }
0xb9: {  	v62 =	vld [tilespmem:s9+$0xF250]  }
0xba: {  	[tilespmem:s9+$0x17270] =	vst v1;
	v1 =	vld [tilespmem:s9+$0xF230];
	v3 =	vadd.f32 v3, v6  }
0xbb: {  	v63 =	vld [tilespmem:s9+$0xF260];
	v2 =	vadd.f32 v2, v58  }
0xbc: {  	[tilespmem:s9+$0x17210] =	vst v3;
	v3 =	vld [tilespmem:s9+$0x7250]  }
0xbd: {  	[tilespmem:s9+$0x17220] =	vst v2;
	v2 =	vld [tilespmem:s9+$0x7260]  }
0xbe: {  	v4 =	vadd.f32 v57, v8  }
0xbf: {  	v1 =	vadd.f32 v1, v59  }
0xc0: {  	[tilespmem:s9+$0x17200] =	vst v4;
	v4 =	vadd.f32 v61, v60  }
0xc1: {  	[tilespmem:s9+$0x17230] =	vst v1;
	v1 =	vadd.f32 v62, v3  }
0xc2: {  	[tilespmem:s9+$0x17240] =	vst v4;
	v2 =	vadd.f32 v63, v2  }
0xc3: {  	s22 =	sadd.s32 $0x1, s22;
	[tilespmem:s9+$0x17250] =	vst v1  }
0xc4: {  	s10 =	sadd.s32 $0x180, s7;
	p0 =	sne.s32 s22, $0x18;
	[tilespmem:s9+$0x17260] =	vst v2  }
0xc5: {  	[tilespmem:s21], [sflag:$0x2] =	stream.indirect.gather [hbm4b:s1+s19], $0x80, s10, s19, $0xb8;
	[tilespmem:$0x1C600] =	vst v63  }
.Ltmp3:
0xc6: {  	s10 =	sadd.s32 s7, s11;
	(pc) =	sbr.rel @p0 .LBB2_4-.Ltmp3, $4  }
0xc7: {  	s9 =	sadd.s32 $0x1A80, s7;
	s7 =	sshll.u32 s10, $0x4  }
0xc8: {  	[tilespmem:s23], [sflag:$0x4] =	stream.indirect.gather [spmem:s4], $0x80, s9, s19, $0xb8;
	[tilespmem:$0x1C600] =	vst v63  }
0xc9: {  	s7 =	sadd.s32 s3, s7  }
0xca: {  	[hbm4b:s7+s5] =	stream.linear.scatter [tilespmem:s30], [sflag:$0x6], $0x4000, $0x38;
	[tilespmem:$0x1C600] =	vst v63  }
0xcb: {  	_ =	swait.ge [sflag:s24], $0x4000  }
0xcc: {  	[sflag:s24] =	ssyncset.done $0x0  }
0xcd: {  	[sflag:s24] =	ssyncadd.s32 $0xFFFFC000  }
0xce: {  	_ =	swait.ge [sflag:s25], $0x4000  }
0xcf: {  	[sflag:s25] =	ssyncset.done $0x0  }
0xd0: {  	[sflag:s25] =	ssyncadd.s32 $0xFFFFC000  }
0xd1: {  	_ =	swait.ge [sflag:s31], $0x4000  }
0xd2: {  	[sflag:s31] =	ssyncset.done $0x0  }
0xd3: {  	s7 =	simm.s32 $0x0;
	[sflag:s31] =	ssyncadd.s32 $0xFFFFC000  }
0xd4: {  	v1 =	vld [tilespmem:s7+$0x3270]  }
0xd5: {  	v2 =	vld [tilespmem:s7+$0xB270]  }
0xd6: {  	v3 =	vld [tilespmem:s7+$0x3200]  }
0xd7: {  	v4 =	vld [tilespmem:s7+$0xB200]  }
0xd8: {  	v5 =	vld [tilespmem:s7+$0x3210]  }
0xd9: {  	v6 =	vld [tilespmem:s7+$0xB210]  }
0xda: {  	v7 =	vld [tilespmem:s7+$0x3220]  }
0xdb: {  	v8 =	vld [tilespmem:s7+$0x3230]  }
0xdc: {  	v1 =	vadd.f32 v2, v1;
	v2 =	vld [tilespmem:s7+$0xB220]  }
0xdd: {  	v9 =	vld [tilespmem:s7+$0xB230]  }
0xde: {  	v10 =	vld [tilespmem:s7+$0xB240];
	v3 =	vadd.f32 v4, v3  }
0xdf: {  	[tilespmem:s7+$0x13270] =	vst v1;
	v1 =	vadd.f32 v6, v5;
	v6 =	vld [tilespmem:s7+$0x3240]  }
0xe0: {  	v4 =	vld [tilespmem:s7+$0xB250];
	[tilespmem:s7+$0x13200] =	vst v3  }
0xe1: {  	v3 =	vld [tilespmem:s7+$0x3250];
	[tilespmem:s7+$0x13210] =	vst v1;
	v1 =	vadd.f32 v2, v7  }
0xe2: {  	v5 =	vld [tilespmem:s7+$0xB260];
	v7 =	vadd.f32 v9, v8  }
0xe3: {  	s8 =	simm.s32 $0x80;
	[tilespmem:s7+$0x13220] =	vst v1;
	v1 =	vld [tilespmem:s7+$0x3260]  }
0xe4: {  	s9 =	simm.s32 $0x400;
	v6 =	vadd.f32 v10, v6;
	v2 =	vld [tilespmem:s8+$0x3270];
	[tilespmem:s7+$0x13230] =	vst v7  }
.LBB2_10:
0xe5: {  	p0 =	sne.s32 s9, $0xFE00;
	v7 =	vld [tilespmem:s8+$0xB270]  }
0xe6: {  	v8 =	vld [tilespmem:s8+$0x3200];
	[tilespmem:s7+$0x13240] =	vst v6;
	v3 =	vadd.f32 v4, v3  }
0xe7: {  	v4 =	vld [tilespmem:s8+$0xB200]  }
0xe8: {  	v6 =	vld [tilespmem:s8+$0x3210];
	[tilespmem:s7+$0x13250] =	vst v3;
	v1 =	vadd.f32 v5, v1  }
0xe9: {  	v3 =	vld [tilespmem:s8+$0xB210]  }
0xea: {  	v5 =	vld [tilespmem:s8+$0x3220];
	v2 =	vadd.f32 v7, v2;
	[tilespmem:s7+$0x13260] =	vst v1;
	s7 =	smov.u32 s8  }
0xeb: {  	v1 =	vld [tilespmem:s7+$0xB220]  }
0xec: {  	v4 =	vadd.f32 v4, v8;
	v7 =	vld [tilespmem:s7+$0x3230];
	[tilespmem:s7+$0x13270] =	vst v2  }
0xed: {  	v2 =	vld [tilespmem:s7+$0xB230]  }
0xee: {  	[tilespmem:s7+$0x13200] =	vst v4;
	v3 =	vadd.f32 v3, v6;
	v6 =	vld [tilespmem:s7+$0x3240]  }
0xef: {  	v8 =	vld [tilespmem:s7+$0xB240]  }
.Ltmp4:
0xf0: {  	[tilespmem:s7+$0x13210] =	vst v3;
	v1 =	vadd.f32 v1, v5;
	v3 =	vld [tilespmem:s7+$0x3250];
	(pc) =	sbr.rel @p0 .LBB2_10-.Ltmp4, $4  }
0xf1: {  	v4 =	vld [tilespmem:s7+$0xB250]  }
0xf2: {  	[tilespmem:s7+$0x13220] =	vst v1;
	v7 =	vadd.f32 v2, v7;
	v1 =	vld [tilespmem:s7+$0x3260]  }
0xf3: {  	s8 =	sshra.s32 s9, $0x2;
	v5 =	vld [tilespmem:s7+$0xB260]  }
0xf4: {  	s9 =	sadd.s32 $0x200, s9;
	v2 =	vld [tilespmem:s8+$0x3270];
	[tilespmem:s7+$0x13230] =	vst v7;
	v6 =	vadd.f32 v8, v6  }
0xf5: {  	v7 =	vld [tilespmem:s8+$0xB270]  }
0xf6: {  	v8 =	vld [tilespmem:s8+$0x3200];
	[tilespmem:s7+$0x13240] =	vst v6;
	v3 =	vadd.f32 v4, v3  }
0xf7: {  	v4 =	vld [tilespmem:s8+$0xB200]  }
0xf8: {  	v6 =	vld [tilespmem:s8+$0x3210];
	[tilespmem:s7+$0x13250] =	vst v3;
	v1 =	vadd.f32 v5, v1  }
0xf9: {  	v3 =	vld [tilespmem:s8+$0xB210]  }
0xfa: {  	v5 =	vld [tilespmem:s8+$0x3220];
	[tilespmem:s7+$0x13260] =	vst v1  }
0xfb: {  	v1 =	vadd.f32 v7, v2;
	v2 =	vld [tilespmem:s8+$0xB220]  }
0xfc: {  	v7 =	vld [tilespmem:s8+$0x3230]  }
0xfd: {  	v4 =	vadd.f32 v4, v8;
	[tilespmem:s8+$0x13270] =	vst v1;
	v1 =	vld [tilespmem:s8+$0xB230]  }
0xfe: {  	v8 =	vld [tilespmem:s8+$0xB260]  }
0xff: {  	[tilespmem:s8+$0x13200] =	vst v4;
	v3 =	vadd.f32 v3, v6;
	v4 =	vld [tilespmem:s8+$0x3240]  }
0x100: {  	v6 =	vld [tilespmem:s8+$0xB240]  }
0x101: {  	[tilespmem:s8+$0x13210] =	vst v3;
	v2 =	vadd.f32 v2, v5;
	v3 =	vld [tilespmem:s8+$0x3250]  }
0x102: {  	v5 =	vld [tilespmem:s8+$0xB250]  }
0x103: {  	[tilespmem:s8+$0x13220] =	vst v2;
	v2 =	vld [tilespmem:s8+$0x3260];
	_ =	sdelay $0x1  }
0x104: {  	v1 =	vadd.f32 v1, v7  }
0x105: {  	v4 =	vadd.f32 v6, v4  }
0x106: {  	[tilespmem:s8+$0x13230] =	vst v1;
	v1 =	vadd.f32 v5, v3  }
0x107: {  	[tilespmem:s8+$0x13240] =	vst v4;
	v2 =	vadd.f32 v8, v2  }
0x108: {  	[tilespmem:s8+$0x13250] =	vst v1  }
0x109: {  	s22 =	simm.s32 $0x0;
	[tilespmem:s8+$0x13260] =	vst v2  }
0x10a: {  	[hbm4b:s12+s22] =	stream.linear.scatter [tilespmem:s26], [sflag:$0x5], $0x4000, $0x38;
	[tilespmem:$0x1C600] =	vst v63  }
0x10b: {  	_ =	swait.ge [sflag:s28], $0x4000  }
0x10c: {  	[sflag:s28] =	ssyncset.done $0x0  }
0x10d: {  	[sflag:s28] =	ssyncadd.s32 $0xFFFFC000  }
0x10e: {  	_ =	swait.ge [sflag:s29], $0x4000  }
0x10f: {  	[sflag:s29] =	ssyncset.done $0x0  }
0x110: {  	[sflag:s29] =	ssyncadd.s32 $0xFFFFC000  }
0x111: {  	_ =	swait.ge [sflag:s2], $0x4000  }
0x112: {  	[sflag:s2] =	ssyncset.done $0x0  }
0x113: {  	s7 =	simm.s32 $0x0;
	[sflag:s2] =	ssyncadd.s32 $0xFFFFC000  }
0x114: {  	v1 =	vld [tilespmem:s7+$0x7270]  }
0x115: {  	v2 =	vld [tilespmem:s7+$0xF270]  }
0x116: {  	v3 =	vld [tilespmem:s7+$0x7200]  }
0x117: {  	v4 =	vld [tilespmem:s7+$0xF200]  }
0x118: {  	v5 =	vld [tilespmem:s7+$0x7210]  }
0x119: {  	v6 =	vld [tilespmem:s7+$0xF210]  }
0x11a: {  	v7 =	vld [tilespmem:s7+$0x7220]  }
0x11b: {  	v8 =	vld [tilespmem:s7+$0x7230]  }
0x11c: {  	v1 =	vadd.f32 v2, v1;
	v2 =	vld [tilespmem:s7+$0xF220]  }
0x11d: {  	v9 =	vld [tilespmem:s7+$0xF230]  }
0x11e: {  	v10 =	vld [tilespmem:s7+$0xF240];
	v3 =	vadd.f32 v4, v3  }
0x11f: {  	[tilespmem:s7+$0x17270] =	vst v1;
	v1 =	vadd.f32 v6, v5;
	v6 =	vld [tilespmem:s7+$0x7240]  }
0x120: {  	v4 =	vld [tilespmem:s7+$0xF250];
	[tilespmem:s7+$0x17200] =	vst v3  }
0x121: {  	v3 =	vld [tilespmem:s7+$0x7250];
	[tilespmem:s7+$0x17210] =	vst v1;
	v1 =	vadd.f32 v2, v7  }
0x122: {  	v5 =	vld [tilespmem:s7+$0xF260];
	v7 =	vadd.f32 v9, v8  }
0x123: {  	s8 =	simm.s32 $0x80;
	[tilespmem:s7+$0x17220] =	vst v1;
	v1 =	vld [tilespmem:s7+$0x7260]  }
0x124: {  	s9 =	simm.s32 $0x400;
	v6 =	vadd.f32 v10, v6;
	v2 =	vld [tilespmem:s8+$0x7270];
	[tilespmem:s7+$0x17230] =	vst v7  }
.LBB2_12:
0x125: {  	p0 =	sne.s32 s9, $0xFE00;
	v7 =	vld [tilespmem:s8+$0xF270]  }
0x126: {  	v8 =	vld [tilespmem:s8+$0x7200];
	[tilespmem:s7+$0x17240] =	vst v6;
	v3 =	vadd.f32 v4, v3  }
0x127: {  	v4 =	vld [tilespmem:s8+$0xF200]  }
0x128: {  	v6 =	vld [tilespmem:s8+$0x7210];
	[tilespmem:s7+$0x17250] =	vst v3;
	v1 =	vadd.f32 v5, v1  }
0x129: {  	v3 =	vld [tilespmem:s8+$0xF210]  }
0x12a: {  	v5 =	vld [tilespmem:s8+$0x7220];
	v2 =	vadd.f32 v7, v2;
	[tilespmem:s7+$0x17260] =	vst v1;
	s7 =	smov.u32 s8  }
0x12b: {  	v1 =	vld [tilespmem:s7+$0xF220]  }
0x12c: {  	v4 =	vadd.f32 v4, v8;
	v7 =	vld [tilespmem:s7+$0x7230];
	[tilespmem:s7+$0x17270] =	vst v2  }
0x12d: {  	v2 =	vld [tilespmem:s7+$0xF230]  }
0x12e: {  	[tilespmem:s7+$0x17200] =	vst v4;
	v3 =	vadd.f32 v3, v6;
	v6 =	vld [tilespmem:s7+$0x7240]  }
0x12f: {  	v8 =	vld [tilespmem:s7+$0xF240]  }
.Ltmp5:
0x130: {  	[tilespmem:s7+$0x17210] =	vst v3;
	v1 =	vadd.f32 v1, v5;
	v3 =	vld [tilespmem:s7+$0x7250];
	(pc) =	sbr.rel @p0 .LBB2_12-.Ltmp5, $4  }
0x131: {  	v4 =	vld [tilespmem:s7+$0xF250]  }
0x132: {  	[tilespmem:s7+$0x17220] =	vst v1;
	v7 =	vadd.f32 v2, v7;
	v1 =	vld [tilespmem:s7+$0x7260]  }
0x133: {  	s8 =	sshra.s32 s9, $0x2;
	v5 =	vld [tilespmem:s7+$0xF260]  }
0x134: {  	s9 =	sadd.s32 $0x200, s9;
	v2 =	vld [tilespmem:s8+$0x7270];
	[tilespmem:s7+$0x17230] =	vst v7;
	v6 =	vadd.f32 v8, v6  }
0x135: {  	v7 =	vld [tilespmem:s8+$0xF270]  }
0x136: {  	v8 =	vld [tilespmem:s8+$0x7200];
	[tilespmem:s7+$0x17240] =	vst v6;
	v3 =	vadd.f32 v4, v3  }
0x137: {  	v57 =	vld [tilespmem:s8+$0xF200]  }
0x138: {  	v6 =	vld [tilespmem:s8+$0x7210];
	[tilespmem:s7+$0x17250] =	vst v3;
	v1 =	vadd.f32 v5, v1  }
0x139: {  	v3 =	vld [tilespmem:s8+$0xF210]  }
0x13a: {  	v58 =	vld [tilespmem:s8+$0x7220];
	[tilespmem:s7+$0x17260] =	vst v1  }
0x13b: {  	v1 =	vadd.f32 v7, v2;
	v2 =	vld [tilespmem:s8+$0xF220]  }
0x13c: {  	v59 =	vld [tilespmem:s8+$0x7230]  }
0x13d: {  	v60 =	vld [tilespmem:s8+$0x7240]  }
0x13e: {  	v61 =	vld [tilespmem:s8+$0xF240]  }
0x13f: {  	v62 =	vld [tilespmem:s8+$0xF250]  }
0x140: {  	[tilespmem:s8+$0x17270] =	vst v1;
	v1 =	vld [tilespmem:s8+$0xF230];
	v3 =	vadd.f32 v3, v6  }
0x141: {  	v63 =	vld [tilespmem:s8+$0xF260];
	v2 =	vadd.f32 v2, v58  }
0x142: {  	[tilespmem:s8+$0x17210] =	vst v3;
	v3 =	vld [tilespmem:s8+$0x7250]  }
0x143: {  	[tilespmem:s8+$0x17220] =	vst v2;
	v2 =	vld [tilespmem:s8+$0x7260]  }
0x144: {  	v4 =	vadd.f32 v57, v8  }
0x145: {  	v1 =	vadd.f32 v1, v59  }
0x146: {  	[tilespmem:s8+$0x17200] =	vst v4;
	v4 =	vadd.f32 v61, v60  }
0x147: {  	[tilespmem:s8+$0x17230] =	vst v1;
	v1 =	vadd.f32 v62, v3  }
0x148: {  	[tilespmem:s8+$0x17240] =	vst v4;
	v2 =	vadd.f32 v63, v2  }
0x149: {  	[tilespmem:s8+$0x17250] =	vst v1  }
0x14a: {  	s0 =	sadd.s32 $0x1, s0;
	[tilespmem:s8+$0x17260] =	vst v2  }
0x14b: {  	[hbm4b:s13+s5] =	stream.linear.scatter [tilespmem:s30], [sflag:$0x6], $0x4000, $0x38;
	[tilespmem:$0x1C600] =	vst v63  }
0x14c: {  	p0 =	sne.s32 s0, s14;
	_ =	swait.ge [sflag:s31], $0x4000  }
.Ltmp6:
0x14d: {  	[sflag:s31] =	ssyncset.done $0x0;
	(pc) =	sbr.rel @p0 .LBB2_1-.Ltmp6, $4  }
0x14e: {  	[sflag:s31] =	ssyncadd.s32 $0xFFFFC000  }
0x14f: {  	_ =	swait.ge [sflag:s2], $0x4000  }
0x150: {  	[sflag:s2] =	ssyncset.done $0x0  }
0x151: {  	[sflag:s2] =	ssyncadd.s32 $0xFFFFC000  }
0x152: {  	_ =	sfence.sel $0x180000  }
0x153: {  	[bflag:$0x0] =	sbarrier.arrive $0xFFFF  }
0x154: {  	_ =	strace $0x90000047  }
0x155: {  	s0 =	stileid.u32;
	[bflag:$0x2] =	sbarrier.arrive $0xFFFF  }
0x156: {  	p0 =	sne.s32 s0, $0x0;
	s0 =	rddreg [dreg:$0x4]  }
0x157: {  	s0 =	sadd.s32 @!p0 $0x100000, s0  }
0x158: {  	[sflag:s0] =	ssyncadd.tile.s32 @!p0 $0x1;
	_ =	shalt  }
.Lfunc_end2:
_tile_overlayer_lowered:
.L_overlay_start_2:
0x159: {  	(tag) =	ssettag $0x2  }
0x15a: {  	s0 =	rddreg [dreg:$0x0];
	s2 =	stileid.u32  }
0x15b: {  	s1 =	rddreg [dreg:$0x1];
	p0 =	sne.s32 s2, $0x0  }
0x15c: {  	s3 =	rddreg [dreg:$0x2];
	[bflag:$0x3] =	sbarrier.arrive $0xFFFF;
	s2 =	simm.s32 @!p0 $0x1C07  }
0x15d: {  	[timem:s3], [sflag:s2] =	dma.local @!p0 [hbm:s0], s1  }
0x15e: {  	s0 =	simm.s32 @!p0 $0x7  }
0x15f: {  	_ =	swait.ge @!p0 [sflag:s0], s1  }
0x160: {  	s1 =	ssub.s32 @!p0 $0x0, s1;
	[sflag:s0] =	ssyncset.done @!p0 $0x0  }
0x161: {  	[sflag:s0] =	ssyncadd.s32 @!p0 s1  }
0x162: {  	[bflag:$0x3] =	sbarrier.arrive $0xFFFF  }
0x163: {  	_ =	shalt  }

</sc_bundles>
